<compile_context>
chip_gen: v7x
topology: tpu7x:2x2x1
jax: 0.10.2.dev20260603
libtpu: 0.0.44.dev20260713+nightly
codegen_flags: <defaults>
</compile_context>

<pallas_src>
import functools

import jax
import jax.numpy as jnp
from jax import lax
from jax.experimental import pallas as pl
from jax.experimental.pallas import tpu as pltpu
from jax.experimental.pallas import tpu_sc as plsc

N = 10000
E = 320000
D = 128
NRBF = 16
NPAD = 10240

NC = 2
NS = 16
NW = NC * NS
EPW = E // NW
CH = 80
NCHUNK = EPW // CH
LANES = 16
TBL_SL = NPAD // NS
ECORE = E // NS
CHG = 80
NCHG = ECORE // CHG
NBUF = 2

BN = 1000
BE = 2560


def _mesh():
    return plsc.VectorSubcoreMesh(core_axis_name="c", subcore_axis_name="s")


def _tables_body(h_ref, wa_ref, wb_ref, a_ref, b_ref):
    h = h_ref[...]
    a_ref[...] = jnp.dot(h, wa_ref[...], preferred_element_type=jnp.float32)
    b_ref[...] = jnp.dot(h, wb_ref[...], preferred_element_type=jnp.float32)


def _make_tables(h, w1m_a, w1m_b):
    return pl.pallas_call(
        _tables_body,
        grid=(N // BN,),
        in_specs=[
            pl.BlockSpec((BN, D), lambda i: (i, 0)),
            pl.BlockSpec((D, D), lambda i: (0, 0)),
            pl.BlockSpec((D, D), lambda i: (0, 0)),
        ],
        out_specs=[
            pl.BlockSpec((BN, D), lambda i: (i, 0)),
            pl.BlockSpec((BN, D), lambda i: (i, 0)),
        ],
        out_shape=[
            jax.ShapeDtypeStruct((NPAD, D), jnp.float32),
            jax.ShapeDtypeStruct((NPAD, D), jnp.float32),
        ],
    )(h, w1m_a, w1m_b)


@functools.lru_cache(maxsize=None)
def _sc_gather_fn():
    @functools.partial(
        pl.kernel,
        mesh=_mesh(),
        compiler_params=pltpu.CompilerParams(needs_layout_passes=False),
        out_type=[
            jax.ShapeDtypeStruct((E, D), jnp.float32),
            jax.ShapeDtypeStruct((E, D), jnp.float32),
            jax.ShapeDtypeStruct((E,), jnp.float32),
        ],
        scratch_types=[
            pltpu.VMEM((CHG,), jnp.int32),
            pltpu.VMEM((CHG,), jnp.int32),
            pltpu.VMEM((CHG,), jnp.int32),
            pltpu.VMEM((CHG,), jnp.int32),
            pltpu.VMEM((CHG, D), jnp.float32),
            pltpu.VMEM((CHG, D), jnp.float32),
            pltpu.VMEM((CHG,), jnp.float32),
            pltpu.VMEM((CHG,), jnp.float32),
            pltpu.VMEM((N,), jnp.float32),
            pltpu.VMEM((N,), jnp.float32),
            pltpu.VMEM_SHARED((NPAD, D), jnp.float32),
            pltpu.SemaphoreType.DMA,
            pltpu.SemaphoreType.DMA,
            pltpu.SemaphoreType.DMA,
            pltpu.SemaphoreType.DMA,
        ],
    )
    def _sc_gather(a_hbm, b_hbm, src_hbm, dst_hbm, x0_hbm, x1_hbm,
                   oa_hbm, ob_hbm, r2_hbm,
                   idxa0, idxa1, idxb0, idxb1, rows0, rows1, r2a0, r2a1,
                   x0_v, x1_v, tbl_sh, semi, semg, semw, semw2):
        cid = lax.axis_index("c")
        sid = lax.axis_index("s")
        tsl = pl.ds(sid * TBL_SL, TBL_SL)

        @pl.when(cid == 0)
        def _stage_a():
            pltpu.sync_copy(a_hbm.at[tsl], tbl_sh.at[tsl])
            pltpu.sync_copy(x0_hbm, x0_v)
            pltpu.sync_copy(x1_hbm, x1_v)

        @pl.when(cid == 1)
        def _stage_b():
            pltpu.sync_copy(b_hbm.at[tsl], tbl_sh.at[tsl])

        plsc.subcore_barrier()

        ebase = sid * ECORE
        idxa = (idxa0, idxa1)
        idxb = (idxb0, idxb1)
        rows = (rows0, rows1)
        r2b = (r2a0, r2a1)

        def _issue_idx0(g, b):
            pltpu.async_copy(src_hbm.at[pl.ds(ebase + g * CHG, CHG)],
                             idxa[b], semi)
            pltpu.async_copy(dst_hbm.at[pl.ds(ebase + g * CHG, CHG)],
                             idxb[b], semi)

        def _drain_idx0(b):
            pltpu.make_async_copy(src_hbm.at[pl.ds(0, CHG)],
                                  idxa[b], semi).wait()
            pltpu.make_async_copy(dst_hbm.at[pl.ds(0, CHG)],
                                  idxb[b], semi).wait()

        def _chunk0(g, t, b):
            base = ebase + g * CHG
            _drain_idx0(b)

            @pl.when(g + 1 < NCHG)
            def _prefetch():
                _issue_idx0(g + 1, 1 - b)

            @pl.when(t >= 1)
            def _drain_writes():
                pltpu.make_async_copy(rows[b], oa_hbm.at[pl.ds(base, CHG)],
                                      semw).wait()
                pltpu.make_async_copy(r2b[b], r2_hbm.at[pl.ds(base, CHG)],
                                      semw2).wait()

            gth = pltpu.async_copy(tbl_sh.at[idxa[b]], rows[b], semg)
            for j in range(CHG // LANES):
                ivs = idxa[b][pl.ds(j * LANES, LANES)]
                ivd = idxb[b][pl.ds(j * LANES, LANES)]
                d0 = (plsc.load_gather(x0_v, [ivs])
                      - plsc.load_gather(x0_v, [ivd]))
                d1 = (plsc.load_gather(x1_v, [ivs])
                      - plsc.load_gather(x1_v, [ivd]))
                r2b[b][pl.ds(j * LANES, LANES)] = d0 * d0 + d1 * d1
            gth.wait()
            pltpu.async_copy(rows[b], oa_hbm.at[pl.ds(base, CHG)], semw)
            pltpu.async_copy(r2b[b], r2_hbm.at[pl.ds(base, CHG)], semw2)

        def _issue_idx1(g, b):
            pltpu.async_copy(dst_hbm.at[pl.ds(ebase + g * CHG, CHG)],
                             idxb[b], semi)

        def _chunk1(g, t, b):
            base = ebase + g * CHG
            pltpu.make_async_copy(dst_hbm.at[pl.ds(0, CHG)],
                                  idxb[b], semi).wait()

            @pl.when(g + 1 < NCHG)
            def _prefetch():
                _issue_idx1(g + 1, 1 - b)

            @pl.when(t >= 1)
            def _drain_writes():
                pltpu.make_async_copy(rows[b], ob_hbm.at[pl.ds(base, CHG)],
                                      semw).wait()

            gth = pltpu.async_copy(tbl_sh.at[idxb[b]], rows[b], semg)
            gth.wait()
            pltpu.async_copy(rows[b], ob_hbm.at[pl.ds(base, CHG)], semw)

        @pl.when(cid == 0)
        def _run0():
            _issue_idx0(0, 0)

            def pair(t, carry):
                _chunk0(2 * t, t, 0)
                _chunk0(2 * t + 1, t, 1)
                return carry

            lax.fori_loop(0, NCHG // 2, pair, 0)
            for b in range(NBUF):
                pltpu.make_async_copy(rows[b], oa_hbm.at[pl.ds(0, CHG)],
                                      semw).wait()
                pltpu.make_async_copy(r2b[b], r2_hbm.at[pl.ds(0, CHG)],
                                      semw2).wait()

        @pl.when(cid == 1)
        def _run1():
            _issue_idx1(0, 0)

            def pair(t, carry):
                _chunk1(2 * t, t, 0)
                _chunk1(2 * t + 1, t, 1)
                return carry

            lax.fori_loop(0, NCHG // 2, pair, 0)
            for b in range(NBUF):
                pltpu.make_async_copy(rows[b], ob_hbm.at[pl.ds(0, CHG)],
                                      semw).wait()

    return _sc_gather


def _edge_body(za_ref, zb_ref, r2_ref, wr_ref, b1_ref, w2_ref, b2_ref,
               cen_ref, gam_ref, out_ref):
    pre = za_ref[...] + zb_ref[...]
    r = jnp.sqrt(r2_ref[...] + 1e-8)
    parts = []
    for s in range(8):
        diff = r[:, s:s + 1] - cen_ref[...]
        rbf = jnp.exp(-gam_ref[...] * diff * diff)
        parts.append(jnp.dot(rbf, wr_ref[...],
                             preferred_element_type=jnp.float32))
    zr = jnp.reshape(jnp.stack(parts, axis=1), (BE, D))
    z = pre + zr + b1_ref[...]
    s = z * jax.nn.sigmoid(z)
    out_ref[...] = jnp.dot(s, w2_ref[...],
                           preferred_element_type=jnp.float32) + b2_ref[...]


def _make_edges(oa, ob, r2, w1m_r, b1m, w2m, b2m, cen_row, gam_row):
    return pl.pallas_call(
        _edge_body,
        grid=(E // BE,),
        in_specs=[
            pl.BlockSpec((BE, D), lambda i: (i, 0)),
            pl.BlockSpec((BE, D), lambda i: (i, 0)),
            pl.BlockSpec((BE // 8, 8), lambda i: (i, 0)),
            pl.BlockSpec((NRBF, D), lambda i: (0, 0)),
            pl.BlockSpec((1, D), lambda i: (0, 0)),
            pl.BlockSpec((D, D), lambda i: (0, 0)),
            pl.BlockSpec((1, D), lambda i: (0, 0)),
            pl.BlockSpec((1, NRBF), lambda i: (0, 0)),
            pl.BlockSpec((1, NRBF), lambda i: (0, 0)),
        ],
        out_specs=pl.BlockSpec((BE, D), lambda i: (i, 0)),
        out_shape=jax.ShapeDtypeStruct((E, D), jnp.float32),
    )(oa, ob, r2, w1m_r, b1m, w2m, b2m, cen_row, gam_row)


@functools.lru_cache(maxsize=None)
def _sc_scatter_fn():
    @functools.partial(
        pl.kernel,
        mesh=_mesh(),
        out_type=jax.ShapeDtypeStruct((NC, NPAD, D), jnp.float32),
        scratch_types=[
            pltpu.VMEM((CH,), jnp.int32),
            pltpu.VMEM((CH,), jnp.int32),
            pltpu.VMEM((CH, D), jnp.float32),
            pltpu.VMEM((CH, D), jnp.float32),
            pltpu.VMEM_SHARED((NPAD, D), jnp.float32),
            pltpu.SemaphoreType.DMA,
            pltpu.SemaphoreType.DMA,
            pltpu.SemaphoreType.DMA,
        ],
    )
    def _sc_scatter(m_hbm, dst_hbm, out_hbm, idx0, idx1, rows0, rows1,
                    acc_sh, semi, semm, sema):
        cid = lax.axis_index("c")
        sid = lax.axis_index("s")
        wid = sid * NC + cid
        rows_per_sub = NPAD // NS
        sl = pl.ds(sid * rows_per_sub, rows_per_sub)
        idxb = (idx0, idx1)
        rows = (rows0, rows1)

        def zrow(i, carry):
            for k in range(D // LANES):
                rows0[i, pl.ds(k * LANES, LANES)] = jnp.zeros(
                    (LANES,), jnp.float32)
            return carry

        lax.fori_loop(0, CH, zrow, 0)
        for k in range(rows_per_sub // CH):
            pltpu.sync_copy(
                rows0, acc_sh.at[pl.ds(sid * rows_per_sub + k * CH, CH)])
        plsc.subcore_barrier()

        ebase = wid * EPW
        idxb = (idx0, idx1)
        rows = (rows0, rows1)

        def _issue(g, b):
            pltpu.async_copy(dst_hbm.at[pl.ds(ebase + g * CH, CH)],
                             idxb[b], semi)
            pltpu.async_copy(m_hbm.at[pl.ds(ebase + g * CH, CH)],
                             rows[b], semm)

        def _chunk(g, b, drain_prev):
            nb = 1 - b

            @pl.when(drain_prev)
            def _drain_add():
                pltpu.make_async_copy(rows[nb], acc_sh.at[idxb[nb]],
                                      sema).wait()

            pltpu.make_async_copy(dst_hbm.at[pl.ds(0, CH)], idxb[b],
                                  semi).wait()
            pltpu.make_async_copy(m_hbm.at[pl.ds(0, CH)], rows[b],
                                  semm).wait()

            @pl.when(g + 1 < NCHUNK)
            def _prefetch():
                _issue(g + 1, nb)

            pltpu.async_copy(rows[b], acc_sh.at[idxb[b]], sema, add=True)

        _issue(0, 0)

        def pair(t, carry):
            _chunk(2 * t, 0, t >= 1)
            _chunk(2 * t + 1, 1, t >= 0)
            return carry

        lax.fori_loop(0, NCHUNK // 2, pair, 0)
        if NCHUNK % 2:
            _chunk(NCHUNK - 1, 0, NCHUNK >= 2)
            pltpu.make_async_copy(rows0, acc_sh.at[idx0], sema).wait()
        else:
            pltpu.make_async_copy(rows1, acc_sh.at[idx1], sema).wait()

        plsc.subcore_barrier()
        pltpu.sync_copy(acc_sh.at[sl], out_hbm.at[cid, sl])

    return _sc_scatter


def _node_body(h_ref, s0_ref, s1_ref, w1ha_ref, w1hb_ref,
               b1h_ref, w2h_ref, b2h_ref, lnw_ref, lnb_ref, out_ref):
    h = h_ref[...]
    agg = s0_ref[...] + s1_ref[...]
    pre = (jnp.dot(h, w1ha_ref[...], preferred_element_type=jnp.float32)
           + jnp.dot(agg, w1hb_ref[...], preferred_element_type=jnp.float32)
           + b1h_ref[...])
    t = pre * jax.nn.sigmoid(pre)
    h_up = jnp.dot(t, w2h_ref[...],
                   preferred_element_type=jnp.float32) + b2h_ref[...]
    y = h + h_up
    mu = jnp.mean(y, axis=1, keepdims=True)
    var = jnp.mean((y - mu) ** 2, axis=1, keepdims=True)
    out_ref[...] = ((y - mu) * lax.rsqrt(var + 1e-5) * lnw_ref[...]
                    + lnb_ref[...])


def _make_nodes(h, s0, s1, w1h_a, w1h_b, b1h, w2h, b2h, lnw, lnb):
    return pl.pallas_call(
        _node_body,
        grid=(N // BN,),
        in_specs=[
            pl.BlockSpec((BN, D), lambda i: (i, 0)),
            pl.BlockSpec((BN, D), lambda i: (i, 0)),
            pl.BlockSpec((BN, D), lambda i: (i, 0)),
            pl.BlockSpec((D, D), lambda i: (0, 0)),
            pl.BlockSpec((D, D), lambda i: (0, 0)),
            pl.BlockSpec((1, D), lambda i: (0, 0)),
            pl.BlockSpec((D, D), lambda i: (0, 0)),
            pl.BlockSpec((1, D), lambda i: (0, 0)),
            pl.BlockSpec((1, D), lambda i: (0, 0)),
            pl.BlockSpec((1, D), lambda i: (0, 0)),
        ],
        out_specs=pl.BlockSpec((BN, D), lambda i: (i, 0)),
        out_shape=jax.ShapeDtypeStruct((N, D), jnp.float32),
    )(h, s0, s1, w1h_a, w1h_b, b1h, w2h, b2h, lnw, lnb)


def kernel(h, x, edge_index, W1m, b1m, W2m, b2m, W1h, b1h, W2h, b2h,
           ln_w, ln_b, centers, gamma):
    src = edge_index[0].astype(jnp.int32)
    dst = edge_index[1].astype(jnp.int32)
    x0 = x[:, 0]
    x1 = x[:, 1]
    cen_row = centers[None, :]
    gam_row = jnp.full((1, NRBF), gamma, jnp.float32)

    a_tab, b_tab = _make_tables(h, W1m[:D], W1m[D:2 * D])
    oa, ob, r2 = _sc_gather_fn()(a_tab, b_tab, src, dst, x0, x1)
    m = _make_edges(oa, ob, r2.reshape(E // 8, 8), W1m[2 * D:], b1m[None, :],
                    W2m, b2m[None, :], cen_row, gam_row)
    s_part = _sc_scatter_fn()(m, dst)
    out = _make_nodes(h, s_part[0, :N], s_part[1, :N], W1h[:D], W1h[D:],
                      b1h[None, :], W2h, b2h[None, :], ln_w[None, :],
                      ln_b[None, :])
    return out

# --- scband reference (transcript-rebuilt; emitter-appended) ---
"""Pipeline reference for scband-invariant-mpnnlayer-39702677684920 (READ-ONLY COPY).

The authoritative reference and input builder live on the scoring server;
editing this copy changes nothing except your own understanding.
"""

import jax, jax.numpy as jnp
import numpy as np
import math

N = 10000
E = 320000
D = 128
N_RBF = 16


def _linear_init(key, fan_in, fan_out):
    k1, k2 = jax.random.split(key)
    bound = 1.0 / math.sqrt(fan_in)
    W = jax.random.uniform(k1, (fan_in, fan_out), minval=-bound, maxval=bound, dtype=jnp.float32)
    b = jax.random.uniform(k2, (fan_out,), minval=-bound, maxval=bound, dtype=jnp.float32)
    return W, b


def setup_inputs(seed: int = 0) -> dict:
    key = jax.random.key(seed)
    ks = jax.random.split(key, 8)
    h = jax.random.normal(ks[0], (N, D), dtype=jnp.float32)
    x = jax.random.uniform(ks[1], (N, 2), dtype=jnp.float32)
    edge_index = jax.random.randint(ks[2], (2, E), 0, N)
    # phi_m: [2*D + N_RBF, D, D]
    W1m, b1m = _linear_init(ks[3], 2 * D + N_RBF, D)
    W2m, b2m = _linear_init(ks[4], D, D)
    # phi_h: [2*D, D, D]
    W1h, b1h = _linear_init(ks[5], 2 * D, D)
    W2h, b2h = _linear_init(ks[6], D, D)
    ln_w = jnp.ones((D,), dtype=jnp.float32)
    ln_b = jnp.zeros((D,), dtype=jnp.float32)
    # GaussianRBF buffers: r_min=0, r_max=sqrt(2)
    centers = jnp.linspace(0.0, math.sqrt(2.0), N_RBF, dtype=jnp.float32)
    width = centers[1] - centers[0]
    gamma = 1.0 / (width ** 2 + 1e-08)
    return {
        'h': h, 'x': x, 'edge_index': edge_index,
        'W1m': W1m, 'b1m': b1m, 'W2m': W2m, 'b2m': b2m,
        'W1h': W1h, 'b1h': b1h, 'W2h': W2h, 'b2h': b2h,
        'ln_w': ln_w, 'ln_b': ln_b,
        'centers': centers, 'gamma': gamma,
    }


def reference(h, x, edge_index, W1m, b1m, W2m, b2m, W1h, b1h, W2h, b2h, ln_w, ln_b, centers, gamma):
    src = edge_index[0]
    dst = edge_index[1]
    dx = x[src] - x[dst]
    r = jnp.sqrt(jnp.sum(dx ** 2, axis=-1) + 1e-08)
    diff = r[:, None] - centers[None, :]
    rbf = jnp.exp(-gamma * diff ** 2)
    m_in = jnp.concatenate([h[src], h[dst], rbf], axis=-1)
    m = jax.nn.silu(m_in @ W1m + b1m) @ W2m + b2m
    agg = jax.ops.segment_sum(m, dst, num_segments=h.shape[0])
    hu_in = jnp.concatenate([h, agg], axis=-1)
    h_up = jax.nn.silu(hu_in @ W1h + b1h) @ W2h + b2h
    y = h + h_up
    mu = jnp.mean(y, axis=-1, keepdims=True)
    var = jnp.mean((y - mu) ** 2, axis=-1, keepdims=True)
    out = (y - mu) / jnp.sqrt(var + 1e-05) * ln_w + ln_b
    return out

if __name__ == "__main__":
    import jax
    _d = setup_inputs()
    print(jax.jit(kernel)(*tuple(_d.values())))

</pallas_src>

<mosaic_0001>
#map = affine_map<(d0, d1) -> (0, 0)>
#map1 = affine_map<(d0, d1) -> (0)>
#map2 = affine_map<(d0, d1) -> (0, 0, 0)>
module attributes {stable_mosaic.version = 14 : i64} {
  func.func @_sc_scatter(%arg0: i32, %arg1: i32, %arg2: memref<320000x128xf32, #tpu.memory_space<hbm>>, %arg3: memref<320000xi32, #tpu.memory_space<hbm>>, %arg4: memref<2x10240x128xf32, #tpu.memory_space<hbm>>, %arg5: memref<80xi32, #tpu.memory_space<vmem>>, %arg6: memref<80xi32, #tpu.memory_space<vmem>>, %arg7: memref<80x128xf32, #tpu.memory_space<vmem>>, %arg8: memref<80x128xf32, #tpu.memory_space<vmem>>, %arg9: memref<10240x128xf32, #tpu.memory_space<vmem_shared>>, %arg10: memref<!tpu.dma_semaphore, #tpu.memory_space<semaphore_mem>>, %arg11: memref<!tpu.dma_semaphore, #tpu.memory_space<semaphore_mem>>, %arg12: memref<!tpu.dma_semaphore, #tpu.memory_space<semaphore_mem>>) attributes {dimension_semantics = [#tpu.dimension_semantics<core_parallel>, #tpu.dimension_semantics<subcore_parallel>], iteration_bounds = array<i64: 2, 16>, scalar_prefetch = 0 : i64, scratch_operands = 8 : i64, tpu.core_type = #tpu.core_type<sc_vector_subcore>, window_params = [{transform_indices = #map}, {transform_indices = #map1}, {transform_indices = #map2}]} {
    %mul3A = arith.constant 2 : i32
    %mul3A_0 = arith.muli %arg1, %mul3A : i32
    %add3A = arith.addi %mul3A_0, %arg0 : i32
    %mul3A_1 = arith.constant 640 : i32
    %mul3A_2 = arith.muli %arg1, %mul3A_1 : i32
    %scan3A = arith.constant 0 : i32
    %scan3A_3 = arith.constant 0 : i32
    %scan3A_4 = arith.constant 80 : i32
    %scan3A_5 = arith.addi %scan3A_3, %scan3A_4 : i32
    %scan3A_6 = arith.constant 1 : i32
    scf.for %scan3A_76 = %scan3A_3 to %scan3A_5 step %scan3A_6  : i32 {
      %broadcast_in_dim3A = arith.constant 0.000000e+00 : f32
      %broadcast_in_dim3A_77 = vector.broadcast %broadcast_in_dim3A : f32 to vector<16xf32>
      %swap3A = arith.index_cast %scan3A_76 : i32 to index
      %swap3A_78 = arith.constant 0 : index
      %swap3A_79 = tpu.vector_load %arg7[%swap3A, %swap3A_78] {strides = array<i32>} : memref<80x128xf32, #tpu.memory_space<vmem>>, vector<1x16xf32>,
      %swap3A_80 = vector.shape_cast %swap3A_79 : vector<1x16xf32> to vector<16xf32>
      %swap3A_81 = vector.shape_cast %broadcast_in_dim3A_77 : vector<16xf32> to vector<1x16xf32>
      tpu.vector_store %arg7[%swap3A, %swap3A_78], %swap3A_81 {strides = array<i32>} : memref<80x128xf32, #tpu.memory_space<vmem>>, vector<1x16xf32>,
      %broadcast_in_dim3A_82 = arith.constant 0.000000e+00 : f32
      %broadcast_in_dim3A_83 = vector.broadcast %broadcast_in_dim3A_82 : f32 to vector<16xf32>
      %swap3A_84 = arith.index_cast %scan3A_76 : i32 to index
      %swap3A_85 = arith.constant 16 : index
      %swap3A_86 = tpu.vector_load %arg7[%swap3A_84, %swap3A_85] {strides = array<i32>} : memref<80x128xf32, #tpu.memory_space<vmem>>, vector<1x16xf32>,
      %swap3A_87 = vector.shape_cast %swap3A_86 : vector<1x16xf32> to vector<16xf32>
      %swap3A_88 = vector.shape_cast %broadcast_in_dim3A_83 : vector<16xf32> to vector<1x16xf32>
      tpu.vector_store %arg7[%swap3A_84, %swap3A_85], %swap3A_88 {strides = array<i32>} : memref<80x128xf32, #tpu.memory_space<vmem>>, vector<1x16xf32>,
      %broadcast_in_dim3A_89 = arith.constant 0.000000e+00 : f32
      %broadcast_in_dim3A_90 = vector.broadcast %broadcast_in_dim3A_89 : f32 to vector<16xf32>
      %swap3A_91 = arith.index_cast %scan3A_76 : i32 to index
      %swap3A_92 = arith.constant 32 : index
      %swap3A_93 = tpu.vector_load %arg7[%swap3A_91, %swap3A_92] {strides = array<i32>} : memref<80x128xf32, #tpu.memory_space<vmem>>, vector<1x16xf32>,
      %swap3A_94 = vector.shape_cast %swap3A_93 : vector<1x16xf32> to vector<16xf32>
      %swap3A_95 = vector.shape_cast %broadcast_in_dim3A_90 : vector<16xf32> to vector<1x16xf32>
      tpu.vector_store %arg7[%swap3A_91, %swap3A_92], %swap3A_95 {strides = array<i32>} : memref<80x128xf32, #tpu.memory_space<vmem>>, vector<1x16xf32>,
      %broadcast_in_dim3A_96 = arith.constant 0.000000e+00 : f32
      %broadcast_in_dim3A_97 = vector.broadcast %broadcast_in_dim3A_96 : f32 to vector<16xf32>
      %swap3A_98 = arith.index_cast %scan3A_76 : i32 to index
      %swap3A_99 = arith.constant 48 : index
      %swap3A_100 = tpu.vector_load %arg7[%swap3A_98, %swap3A_99] {strides = array<i32>} : memref<80x128xf32, #tpu.memory_space<vmem>>, vector<1x16xf32>,
      %swap3A_101 = vector.shape_cast %swap3A_100 : vector<1x16xf32> to vector<16xf32>
      %swap3A_102 = vector.shape_cast %broadcast_in_dim3A_97 : vector<16xf32> to vector<1x16xf32>
      tpu.vector_store %arg7[%swap3A_98, %swap3A_99], %swap3A_102 {strides = array<i32>} : memref<80x128xf32, #tpu.memory_space<vmem>>, vector<1x16xf32>,
      %broadcast_in_dim3A_103 = arith.constant 0.000000e+00 : f32
      %broadcast_in_dim3A_104 = vector.broadcast %broadcast_in_dim3A_103 : f32 to vector<16xf32>
      %swap3A_105 = arith.index_cast %scan3A_76 : i32 to index
      %swap3A_106 = arith.constant 64 : index
      %swap3A_107 = tpu.vector_load %arg7[%swap3A_105, %swap3A_106] {strides = array<i32>} : memref<80x128xf32, #tpu.memory_space<vmem>>, vector<1x16xf32>,
      %swap3A_108 = vector.shape_cast %swap3A_107 : vector<1x16xf32> to vector<16xf32>
      %swap3A_109 = vector.shape_cast %broadcast_in_dim3A_104 : vector<16xf32> to vector<1x16xf32>
      tpu.vector_store %arg7[%swap3A_105, %swap3A_106], %swap3A_109 {strides = array<i32>} : memref<80x128xf32, #tpu.memory_space<vmem>>, vector<1x16xf32>,
      %broadcast_in_dim3A_110 = arith.constant 0.000000e+00 : f32
      %broadcast_in_dim3A_111 = vector.broadcast %broadcast_in_dim3A_110 : f32 to vector<16xf32>
      %swap3A_112 = arith.index_cast %scan3A_76 : i32 to index
      %swap3A_113 = arith.constant 80 : index
      %swap3A_114 = tpu.vector_load %arg7[%swap3A_112, %swap3A_113] {strides = array<i32>} : memref<80x128xf32, #tpu.memory_space<vmem>>, vector<1x16xf32>,
      %swap3A_115 = vector.shape_cast %swap3A_114 : vector<1x16xf32> to vector<16xf32>
      %swap3A_116 = vector.shape_cast %broadcast_in_dim3A_111 : vector<16xf32> to vector<1x16xf32>
      tpu.vector_store %arg7[%swap3A_112, %swap3A_113], %swap3A_116 {strides = array<i32>} : memref<80x128xf32, #tpu.memory_space<vmem>>, vector<1x16xf32>,
      %broadcast_in_dim3A_117 = arith.constant 0.000000e+00 : f32
      %broadcast_in_dim3A_118 = vector.broadcast %broadcast_in_dim3A_117 : f32 to vector<16xf32>
      %swap3A_119 = arith.index_cast %scan3A_76 : i32 to index
      %swap3A_120 = arith.constant 96 : index
      %swap3A_121 = tpu.vector_load %arg7[%swap3A_119, %swap3A_120] {strides = array<i32>} : memref<80x128xf32, #tpu.memory_space<vmem>>, vector<1x16xf32>,
      %swap3A_122 = vector.shape_cast %swap3A_121 : vector<1x16xf32> to vector<16xf32>
      %swap3A_123 = vector.shape_cast %broadcast_in_dim3A_118 : vector<16xf32> to vector<1x16xf32>
      tpu.vector_store %arg7[%swap3A_119, %swap3A_120], %swap3A_123 {strides = array<i32>} : memref<80x128xf32, #tpu.memory_space<vmem>>, vector<1x16xf32>,
      %broadcast_in_dim3A_124 = arith.constant 0.000000e+00 : f32
      %broadcast_in_dim3A_125 = vector.broadcast %broadcast_in_dim3A_124 : f32 to vector<16xf32>
      %swap3A_126 = arith.index_cast %scan3A_76 : i32 to index
      %swap3A_127 = arith.constant 112 : index
      %swap3A_128 = tpu.vector_load %arg7[%swap3A_126, %swap3A_127] {strides = array<i32>} : memref<80x128xf32, #tpu.memory_space<vmem>>, vector<1x16xf32>,
      %swap3A_129 = vector.shape_cast %swap3A_128 : vector<1x16xf32> to vector<16xf32>
      %swap3A_130 = vector.shape_cast %broadcast_in_dim3A_125 : vector<16xf32> to vector<1x16xf32>
      tpu.vector_store %arg7[%swap3A_126, %swap3A_127], %swap3A_130 {strides = array<i32>} : memref<80x128xf32, #tpu.memory_space<vmem>>, vector<1x16xf32>,
    }
    %scan3A_7 = arith.constant 80 : i32
    %mul3A_8 = arith.constant 640 : i32
    %mul3A_9 = arith.muli %arg1, %mul3A_8 : i32
    %add3A_10 = arith.constant 0 : i32
    %add3A_11 = arith.addi %mul3A_9, %add3A_10 : i32
    "tpu.region"() ({
      %run_scoped3A = tpu.sem_alloc : memref<!tpu.dma_semaphore, #tpu.memory_space<semaphore_mem>>
      %dma_start3A_76 = arith.constant 0 : i32
      %dma_start3A_77 = tpu.memref_slice %arg9[%add3A_11, %dma_start3A_76] : memref<10240x128xf32, #tpu.memory_space<vmem_shared>> -> memref<80x128xf32, #tpu.memory_space<vmem_shared>>
      %dma_start3A_78 = arith.constant 0 : i32
      %dma_start3A_79 = tpu.memref_slice %arg9[%add3A_11, %dma_start3A_78] : memref<10240x128xf32, #tpu.memory_space<vmem_shared>> -> memref<80x128xf32, #tpu.memory_space<vmem_shared>>
      tpu.enqueue_dma source(%arg7 : memref<80x128xf32, #tpu.memory_space<vmem>>) target(%dma_start3A_79 : memref<80x128xf32, #tpu.memory_space<vmem_shared>>) target_semaphore(%run_scoped3A : memref<!tpu.dma_semaphore, #tpu.memory_space<semaphore_mem>>)
      %dma_wait3A_80 = arith.constant 0 : i32
      %dma_wait3A_81 = tpu.memref_slice %arg9[%add3A_11, %dma_wait3A_80] : memref<10240x128xf32, #tpu.memory_space<vmem_shared>> -> memref<80x128xf32, #tpu.memory_space<vmem_shared>>
      %dma_wait3A_82 = arith.constant 0 : i32
      %dma_wait3A_83 = tpu.memref_slice %arg9[%add3A_11, %dma_wait3A_82] : memref<10240x128xf32, #tpu.memory_space<vmem_shared>> -> memref<80x128xf32, #tpu.memory_space<vmem_shared>>
      tpu.wait_dma2 semaphore(%run_scoped3A : memref<!tpu.dma_semaphore, #tpu.memory_space<semaphore_mem>>) src(%arg7 : memref<80x128xf32, #tpu.memory_space<vmem>>) dst(%dma_wait3A_83 : memref<80x128xf32, #tpu.memory_space<vmem_shared>>)
      tpu.yield
    }) : () -> ()
    %mul3A_12 = arith.constant 640 : i32
    %mul3A_13 = arith.muli %arg1, %mul3A_12 : i32
    %add3A_14 = arith.constant 80 : i32
    %add3A_15 = arith.addi %mul3A_13, %add3A_14 : i32
    "tpu.region"() ({
      %run_scoped3A = tpu.sem_alloc : memref<!tpu.dma_semaphore, #tpu.memory_space<semaphore_mem>>
      %dma_start3A_76 = arith.constant 0 : i32
      %dma_start3A_77 = tpu.memref_slice %arg9[%add3A_15, %dma_start3A_76] : memref<10240x128xf32, #tpu.memory_space<vmem_shared>> -> memref<80x128xf32, #tpu.memory_space<vmem_shared>>
      %dma_start3A_78 = arith.constant 0 : i32
      %dma_start3A_79 = tpu.memref_slice %arg9[%add3A_15, %dma_start3A_78] : memref<10240x128xf32, #tpu.memory_space<vmem_shared>> -> memref<80x128xf32, #tpu.memory_space<vmem_shared>>
      tpu.enqueue_dma source(%arg7 : memref<80x128xf32, #tpu.memory_space<vmem>>) target(%dma_start3A_79 : memref<80x128xf32, #tpu.memory_space<vmem_shared>>) target_semaphore(%run_scoped3A : memref<!tpu.dma_semaphore, #tpu.memory_space<semaphore_mem>>)
      %dma_wait3A_80 = arith.constant 0 : i32
      %dma_wait3A_81 = tpu.memref_slice %arg9[%add3A_15, %dma_wait3A_80] : memref<10240x128xf32, #tpu.memory_space<vmem_shared>> -> memref<80x128xf32, #tpu.memory_space<vmem_shared>>
      %dma_wait3A_82 = arith.constant 0 : i32
      %dma_wait3A_83 = tpu.memref_slice %arg9[%add3A_15, %dma_wait3A_82] : memref<10240x128xf32, #tpu.memory_space<vmem_shared>> -> memref<80x128xf32, #tpu.memory_space<vmem_shared>>
      tpu.wait_dma2 semaphore(%run_scoped3A : memref<!tpu.dma_semaphore, #tpu.memory_space<semaphore_mem>>) src(%arg7 : memref<80x128xf32, #tpu.memory_space<vmem>>) dst(%dma_wait3A_83 : memref<80x128xf32, #tpu.memory_space<vmem_shared>>)
      tpu.yield
    }) : () -> ()
    %mul3A_16 = arith.constant 640 : i32
    %mul3A_17 = arith.muli %arg1, %mul3A_16 : i32
    %add3A_18 = arith.constant 160 : i32
    %add3A_19 = arith.addi %mul3A_17, %add3A_18 : i32
    "tpu.region"() ({
      %run_scoped3A = tpu.sem_alloc : memref<!tpu.dma_semaphore, #tpu.memory_space<semaphore_mem>>
      %dma_start3A_76 = arith.constant 0 : i32
      %dma_start3A_77 = tpu.memref_slice %arg9[%add3A_19, %dma_start3A_76] : memref<10240x128xf32, #tpu.memory_space<vmem_shared>> -> memref<80x128xf32, #tpu.memory_space<vmem_shared>>
      %dma_start3A_78 = arith.constant 0 : i32
      %dma_start3A_79 = tpu.memref_slice %arg9[%add3A_19, %dma_start3A_78] : memref<10240x128xf32, #tpu.memory_space<vmem_shared>> -> memref<80x128xf32, #tpu.memory_space<vmem_shared>>
      tpu.enqueue_dma source(%arg7 : memref<80x128xf32, #tpu.memory_space<vmem>>) target(%dma_start3A_79 : memref<80x128xf32, #tpu.memory_space<vmem_shared>>) target_semaphore(%run_scoped3A : memref<!tpu.dma_semaphore, #tpu.memory_space<semaphore_mem>>)
      %dma_wait3A_80 = arith.constant 0 : i32
      %dma_wait3A_81 = tpu.memref_slice %arg9[%add3A_19, %dma_wait3A_80] : memref<10240x128xf32, #tpu.memory_space<vmem_shared>> -> memref<80x128xf32, #tpu.memory_space<vmem_shared>>
      %dma_wait3A_82 = arith.constant 0 : i32
      %dma_wait3A_83 = tpu.memref_slice %arg9[%add3A_19, %dma_wait3A_82] : memref<10240x128xf32, #tpu.memory_space<vmem_shared>> -> memref<80x128xf32, #tpu.memory_space<vmem_shared>>
      tpu.wait_dma2 semaphore(%run_scoped3A : memref<!tpu.dma_semaphore, #tpu.memory_space<semaphore_mem>>) src(%arg7 : memref<80x128xf32, #tpu.memory_space<vmem>>) dst(%dma_wait3A_83 : memref<80x128xf32, #tpu.memory_space<vmem_shared>>)
      tpu.yield
    }) : () -> ()
    %mul3A_20 = arith.constant 640 : i32
    %mul3A_21 = arith.muli %arg1, %mul3A_20 : i32
    %add3A_22 = arith.constant 240 : i32
    %add3A_23 = arith.addi %mul3A_21, %add3A_22 : i32
    "tpu.region"() ({
      %run_scoped3A = tpu.sem_alloc : memref<!tpu.dma_semaphore, #tpu.memory_space<semaphore_mem>>
      %dma_start3A_76 = arith.constant 0 : i32
      %dma_start3A_77 = tpu.memref_slice %arg9[%add3A_23, %dma_start3A_76] : memref<10240x128xf32, #tpu.memory_space<vmem_shared>> -> memref<80x128xf32, #tpu.memory_space<vmem_shared>>
      %dma_start3A_78 = arith.constant 0 : i32
      %dma_start3A_79 = tpu.memref_slice %arg9[%add3A_23, %dma_start3A_78] : memref<10240x128xf32, #tpu.memory_space<vmem_shared>> -> memref<80x128xf32, #tpu.memory_space<vmem_shared>>
      tpu.enqueue_dma source(%arg7 : memref<80x128xf32, #tpu.memory_space<vmem>>) target(%dma_start3A_79 : memref<80x128xf32, #tpu.memory_space<vmem_shared>>) target_semaphore(%run_scoped3A : memref<!tpu.dma_semaphore, #tpu.memory_space<semaphore_mem>>)
      %dma_wait3A_80 = arith.constant 0 : i32
      %dma_wait3A_81 = tpu.memref_slice %arg9[%add3A_23, %dma_wait3A_80] : memref<10240x128xf32, #tpu.memory_space<vmem_shared>> -> memref<80x128xf32, #tpu.memory_space<vmem_shared>>
      %dma_wait3A_82 = arith.constant 0 : i32
      %dma_wait3A_83 = tpu.memref_slice %arg9[%add3A_23, %dma_wait3A_82] : memref<10240x128xf32, #tpu.memory_space<vmem_shared>> -> memref<80x128xf32, #tpu.memory_space<vmem_shared>>
      tpu.wait_dma2 semaphore(%run_scoped3A : memref<!tpu.dma_semaphore, #tpu.memory_space<semaphore_mem>>) src(%arg7 : memref<80x128xf32, #tpu.memory_space<vmem>>) dst(%dma_wait3A_83 : memref<80x128xf32, #tpu.memory_space<vmem_shared>>)
      tpu.yield
    }) : () -> ()
    %mul3A_24 = arith.constant 640 : i32
    %mul3A_25 = arith.muli %arg1, %mul3A_24 : i32
    %add3A_26 = arith.constant 320 : i32
    %add3A_27 = arith.addi %mul3A_25, %add3A_26 : i32
    "tpu.region"() ({
      %run_scoped3A = tpu.sem_alloc : memref<!tpu.dma_semaphore, #tpu.memory_space<semaphore_mem>>
      %dma_start3A_76 = arith.constant 0 : i32
      %dma_start3A_77 = tpu.memref_slice %arg9[%add3A_27, %dma_start3A_76] : memref<10240x128xf32, #tpu.memory_space<vmem_shared>> -> memref<80x128xf32, #tpu.memory_space<vmem_shared>>
      %dma_start3A_78 = arith.constant 0 : i32
      %dma_start3A_79 = tpu.memref_slice %arg9[%add3A_27, %dma_start3A_78] : memref<10240x128xf32, #tpu.memory_space<vmem_shared>> -> memref<80x128xf32, #tpu.memory_space<vmem_shared>>
      tpu.enqueue_dma source(%arg7 : memref<80x128xf32, #tpu.memory_space<vmem>>) target(%dma_start3A_79 : memref<80x128xf32, #tpu.memory_space<vmem_shared>>) target_semaphore(%run_scoped3A : memref<!tpu.dma_semaphore, #tpu.memory_space<semaphore_mem>>)
      %dma_wait3A_80 = arith.constant 0 : i32
      %dma_wait3A_81 = tpu.memref_slice %arg9[%add3A_27, %dma_wait3A_80] : memref<10240x128xf32, #tpu.memory_space<vmem_shared>> -> memref<80x128xf32, #tpu.memory_space<vmem_shared>>
      %dma_wait3A_82 = arith.constant 0 : i32
      %dma_wait3A_83 = tpu.memref_slice %arg9[%add3A_27, %dma_wait3A_82] : memref<10240x128xf32, #tpu.memory_space<vmem_shared>> -> memref<80x128xf32, #tpu.memory_space<vmem_shared>>
      tpu.wait_dma2 semaphore(%run_scoped3A : memref<!tpu.dma_semaphore, #tpu.memory_space<semaphore_mem>>) src(%arg7 : memref<80x128xf32, #tpu.memory_space<vmem>>) dst(%dma_wait3A_83 : memref<80x128xf32, #tpu.memory_space<vmem_shared>>)
      tpu.yield
    }) : () -> ()
    %mul3A_28 = arith.constant 640 : i32
    %mul3A_29 = arith.muli %arg1, %mul3A_28 : i32
    %add3A_30 = arith.constant 400 : i32
    %add3A_31 = arith.addi %mul3A_29, %add3A_30 : i32
    "tpu.region"() ({
      %run_scoped3A = tpu.sem_alloc : memref<!tpu.dma_semaphore, #tpu.memory_space<semaphore_mem>>
      %dma_start3A_76 = arith.constant 0 : i32
      %dma_start3A_77 = tpu.memref_slice %arg9[%add3A_31, %dma_start3A_76] : memref<10240x128xf32, #tpu.memory_space<vmem_shared>> -> memref<80x128xf32, #tpu.memory_space<vmem_shared>>
      %dma_start3A_78 = arith.constant 0 : i32
      %dma_start3A_79 = tpu.memref_slice %arg9[%add3A_31, %dma_start3A_78] : memref<10240x128xf32, #tpu.memory_space<vmem_shared>> -> memref<80x128xf32, #tpu.memory_space<vmem_shared>>
      tpu.enqueue_dma source(%arg7 : memref<80x128xf32, #tpu.memory_space<vmem>>) target(%dma_start3A_79 : memref<80x128xf32, #tpu.memory_space<vmem_shared>>) target_semaphore(%run_scoped3A : memref<!tpu.dma_semaphore, #tpu.memory_space<semaphore_mem>>)
      %dma_wait3A_80 = arith.constant 0 : i32
      %dma_wait3A_81 = tpu.memref_slice %arg9[%add3A_31, %dma_wait3A_80] : memref<10240x128xf32, #tpu.memory_space<vmem_shared>> -> memref<80x128xf32, #tpu.memory_space<vmem_shared>>
      %dma_wait3A_82 = arith.constant 0 : i32
      %dma_wait3A_83 = tpu.memref_slice %arg9[%add3A_31, %dma_wait3A_82] : memref<10240x128xf32, #tpu.memory_space<vmem_shared>> -> memref<80x128xf32, #tpu.memory_space<vmem_shared>>
      tpu.wait_dma2 semaphore(%run_scoped3A : memref<!tpu.dma_semaphore, #tpu.memory_space<semaphore_mem>>) src(%arg7 : memref<80x128xf32, #tpu.memory_space<vmem>>) dst(%dma_wait3A_83 : memref<80x128xf32, #tpu.memory_space<vmem_shared>>)
      tpu.yield
    }) : () -> ()
    %mul3A_32 = arith.constant 640 : i32
    %mul3A_33 = arith.muli %arg1, %mul3A_32 : i32
    %add3A_34 = arith.constant 480 : i32
    %add3A_35 = arith.addi %mul3A_33, %add3A_34 : i32
    "tpu.region"() ({
      %run_scoped3A = tpu.sem_alloc : memref<!tpu.dma_semaphore, #tpu.memory_space<semaphore_mem>>
      %dma_start3A_76 = arith.constant 0 : i32
      %dma_start3A_77 = tpu.memref_slice %arg9[%add3A_35, %dma_start3A_76] : memref<10240x128xf32, #tpu.memory_space<vmem_shared>> -> memref<80x128xf32, #tpu.memory_space<vmem_shared>>
      %dma_start3A_78 = arith.constant 0 : i32
      %dma_start3A_79 = tpu.memref_slice %arg9[%add3A_35, %dma_start3A_78] : memref<10240x128xf32, #tpu.memory_space<vmem_shared>> -> memref<80x128xf32, #tpu.memory_space<vmem_shared>>
      tpu.enqueue_dma source(%arg7 : memref<80x128xf32, #tpu.memory_space<vmem>>) target(%dma_start3A_79 : memref<80x128xf32, #tpu.memory_space<vmem_shared>>) target_semaphore(%run_scoped3A : memref<!tpu.dma_semaphore, #tpu.memory_space<semaphore_mem>>)
      %dma_wait3A_80 = arith.constant 0 : i32
      %dma_wait3A_81 = tpu.memref_slice %arg9[%add3A_35, %dma_wait3A_80] : memref<10240x128xf32, #tpu.memory_space<vmem_shared>> -> memref<80x128xf32, #tpu.memory_space<vmem_shared>>
      %dma_wait3A_82 = arith.constant 0 : i32
      %dma_wait3A_83 = tpu.memref_slice %arg9[%add3A_35, %dma_wait3A_82] : memref<10240x128xf32, #tpu.memory_space<vmem_shared>> -> memref<80x128xf32, #tpu.memory_space<vmem_shared>>
      tpu.wait_dma2 semaphore(%run_scoped3A : memref<!tpu.dma_semaphore, #tpu.memory_space<semaphore_mem>>) src(%arg7 : memref<80x128xf32, #tpu.memory_space<vmem>>) dst(%dma_wait3A_83 : memref<80x128xf32, #tpu.memory_space<vmem_shared>>)
      tpu.yield
    }) : () -> ()
    %mul3A_36 = arith.constant 640 : i32
    %mul3A_37 = arith.muli %arg1, %mul3A_36 : i32
    %add3A_38 = arith.constant 560 : i32
    %add3A_39 = arith.addi %mul3A_37, %add3A_38 : i32
    "tpu.region"() ({
      %run_scoped3A = tpu.sem_alloc : memref<!tpu.dma_semaphore, #tpu.memory_space<semaphore_mem>>
      %dma_start3A_76 = arith.constant 0 : i32
      %dma_start3A_77 = tpu.memref_slice %arg9[%add3A_39, %dma_start3A_76] : memref<10240x128xf32, #tpu.memory_space<vmem_shared>> -> memref<80x128xf32, #tpu.memory_space<vmem_shared>>
      %dma_start3A_78 = arith.constant 0 : i32
      %dma_start3A_79 = tpu.memref_slice %arg9[%add3A_39, %dma_start3A_78] : memref<10240x128xf32, #tpu.memory_space<vmem_shared>> -> memref<80x128xf32, #tpu.memory_space<vmem_shared>>
      tpu.enqueue_dma source(%arg7 : memref<80x128xf32, #tpu.memory_space<vmem>>) target(%dma_start3A_79 : memref<80x128xf32, #tpu.memory_space<vmem_shared>>) target_semaphore(%run_scoped3A : memref<!tpu.dma_semaphore, #tpu.memory_space<semaphore_mem>>)
      %dma_wait3A_80 = arith.constant 0 : i32
      %dma_wait3A_81 = tpu.memref_slice %arg9[%add3A_39, %dma_wait3A_80] : memref<10240x128xf32, #tpu.memory_space<vmem_shared>> -> memref<80x128xf32, #tpu.memory_space<vmem_shared>>
      %dma_wait3A_82 = arith.constant 0 : i32
      %dma_wait3A_83 = tpu.memref_slice %arg9[%add3A_39, %dma_wait3A_82] : memref<10240x128xf32, #tpu.memory_space<vmem_shared>> -> memref<80x128xf32, #tpu.memory_space<vmem_shared>>
      tpu.wait_dma2 semaphore(%run_scoped3A : memref<!tpu.dma_semaphore, #tpu.memory_space<semaphore_mem>>) src(%arg7 : memref<80x128xf32, #tpu.memory_space<vmem>>) dst(%dma_wait3A_83 : memref<80x128xf32, #tpu.memory_space<vmem_shared>>)
      tpu.yield
    }) : () -> ()
    %barrier3A = arith.constant 0 : index
    tpu.barrier barrier_id(%barrier3A)
    %mul3A_40 = arith.constant 10000 : i32
    %mul3A_41 = arith.muli %add3A, %mul3A_40 : i32
    %add3A_42 = arith.constant 0 : i32
    %add3A_43 = arith.addi %mul3A_41, %add3A_42 : i32
    %dma_start3A = tpu.memref_slice %arg3[%add3A_43] : memref<320000xi32, #tpu.memory_space<hbm>> -> memref<80xi32, #tpu.memory_space<hbm>>
    %dma_start3A_44 = tpu.memref_slice %arg3[%add3A_43] : memref<320000xi32, #tpu.memory_space<hbm>> -> memref<80xi32, #tpu.memory_space<hbm>>
    tpu.enqueue_dma source(%dma_start3A_44 : memref<80xi32, #tpu.memory_space<hbm>>) target(%arg5 : memref<80xi32, #tpu.memory_space<vmem>>) target_semaphore(%arg10 : memref<!tpu.dma_semaphore, #tpu.memory_space<semaphore_mem>>)
    %add3A_45 = arith.constant 0 : i32
    %add3A_46 = arith.addi %mul3A_41, %add3A_45 : i32
    %dma_start3A_47 = arith.constant 0 : i32
    %dma_start3A_48 = tpu.memref_slice %arg2[%add3A_46, %dma_start3A_47] : memref<320000x128xf32, #tpu.memory_space<hbm>> -> memref<80x128xf32, #tpu.memory_space<hbm>>
    %dma_start3A_49 = arith.constant 0 : i32
    %dma_start3A_50 = tpu.memref_slice %arg2[%add3A_46, %dma_start3A_49] : memref<320000x128xf32, #tpu.memory_space<hbm>> -> memref<80x128xf32, #tpu.memory_space<hbm>>
    tpu.enqueue_dma source(%dma_start3A_50 : memref<80x128xf32, #tpu.memory_space<hbm>>) target(%arg7 : memref<80x128xf32, #tpu.memory_space<vmem>>) target_semaphore(%arg11 : memref<!tpu.dma_semaphore, #tpu.memory_space<semaphore_mem>>)
    %scan3A_51 = arith.constant 0 : i32
    %scan3A_52 = arith.constant 0 : i32
    %scan3A_53 = arith.constant 62 : i32
    %scan3A_54 = arith.addi %scan3A_52, %scan3A_53 : i32
    %scan3A_55 = arith.constant 1 : i32
    scf.for %scan3A_76 = %scan3A_52 to %scan3A_54 step %scan3A_55  : i32 {
      %mul3A_77 = arith.constant 2 : i32
      %mul3A_78 = arith.muli %mul3A_77, %scan3A_76 : i32
      %ge3A = arith.constant 1 : i32
      %ge3A_79 = arith.cmpi sge, %scan3A_76, %ge3A : i32
      %convert_element_type3A = arith.extui %ge3A_79 : i1 to i32
      %cond3A = arith.constant 0 : i32
      %cond3A_80 = arith.cmpi ne, %convert_element_type3A, %cond3A : i32
      scf.if %cond3A_80 {
        %dma_wait3A_129 = arith.constant 0 : i32
        %dma_wait3A_130 = arith.constant 0 : i32
        %dma_wait3A_131 = tpu.memref_slice %arg9[%dma_wait3A_129, %dma_wait3A_130] : memref<10240x128xf32, #tpu.memory_space<vmem_shared>> -> memref<10240x128xf32, #tpu.memory_space<vmem_shared>>
        tpu.wait_indirect_dma semaphore(%arg12 : memref<!tpu.dma_semaphore, #tpu.memory_space<semaphore_mem>>) src(%arg8 : memref<80x128xf32, #tpu.memory_space<vmem>>) dst(%dma_wait3A_131 : memref<10240x128xf32, #tpu.memory_space<vmem_shared>>)
      } else {
      }
      %dma_wait3A_81 = arith.constant 0 : i32
      %dma_wait3A_82 = tpu.memref_slice %arg3[%dma_wait3A_81] : memref<320000xi32, #tpu.memory_space<hbm>> -> memref<80xi32, #tpu.memory_space<hbm>>
      %dma_wait3A_83 = arith.constant 0 : i32
      %dma_wait3A_84 = tpu.memref_slice %arg3[%dma_wait3A_83] : memref<320000xi32, #tpu.memory_space<hbm>> -> memref<80xi32, #tpu.memory_space<hbm>>
      tpu.wait_dma2 semaphore(%arg10 : memref<!tpu.dma_semaphore, #tpu.memory_space<semaphore_mem>>) src(%dma_wait3A_84 : memref<80xi32, #tpu.memory_space<hbm>>) dst(%arg5 : memref<80xi32, #tpu.memory_space<vmem>>)
      %dma_wait3A_85 = arith.constant 0 : i32
      %dma_wait3A_86 = arith.constant 0 : i32
      %dma_wait3A_87 = tpu.memref_slice %arg2[%dma_wait3A_85, %dma_wait3A_86] : memref<320000x128xf32, #tpu.memory_space<hbm>> -> memref<80x128xf32, #tpu.memory_space<hbm>>
      %dma_wait3A_88 = arith.constant 0 : i32
      %dma_wait3A_89 = arith.constant 0 : i32
      %dma_wait3A_90 = tpu.memref_slice %arg2[%dma_wait3A_88, %dma_wait3A_89] : memref<320000x128xf32, #tpu.memory_space<hbm>> -> memref<80x128xf32, #tpu.memory_space<hbm>>
      tpu.wait_dma2 semaphore(%arg11 : memref<!tpu.dma_semaphore, #tpu.memory_space<semaphore_mem>>) src(%dma_wait3A_90 : memref<80x128xf32, #tpu.memory_space<hbm>>) dst(%arg7 : memref<80x128xf32, #tpu.memory_space<vmem>>)
      %add3A_91 = arith.constant 1 : i32
      %add3A_92 = arith.addi %mul3A_78, %add3A_91 : i32
      %lt3A = arith.constant 125 : i32
      %lt3A_93 = arith.cmpi slt, %add3A_92, %lt3A : i32
      %convert_element_type3A_94 = arith.extui %lt3A_93 : i1 to i32
      %cond3A_95 = arith.constant 0 : i32
      %cond3A_96 = arith.cmpi ne, %convert_element_type3A_94, %cond3A_95 : i32
      scf.if %cond3A_96 {
        %add3A_129 = arith.constant 1 : i32
        %add3A_130 = arith.addi %mul3A_78, %add3A_129 : i32
        %mul3A_131 = arith.constant 80 : i32
        %mul3A_132 = arith.muli %add3A_130, %mul3A_131 : i32
        %add3A_133 = arith.addi %mul3A_41, %mul3A_132 : i32
        %dma_start3A_134 = tpu.memref_slice %arg3[%add3A_133] : memref<320000xi32, #tpu.memory_space<hbm>> -> memref<80xi32, #tpu.memory_space<hbm>>
        %dma_start3A_135 = tpu.memref_slice %arg3[%add3A_133] : memref<320000xi32, #tpu.memory_space<hbm>> -> memref<80xi32, #tpu.memory_space<hbm>>
        tpu.enqueue_dma source(%dma_start3A_135 : memref<80xi32, #tpu.memory_space<hbm>>) target(%arg6 : memref<80xi32, #tpu.memory_space<vmem>>) target_semaphore(%arg10 : memref<!tpu.dma_semaphore, #tpu.memory_space<semaphore_mem>>)
        %mul3A_136 = arith.constant 80 : i32
        %mul3A_137 = arith.muli %add3A_130, %mul3A_136 : i32
        %add3A_138 = arith.addi %mul3A_41, %mul3A_137 : i32
        %dma_start3A_139 = arith.constant 0 : i32
        %dma_start3A_140 = tpu.memref_slice %arg2[%add3A_138, %dma_start3A_139] : memref<320000x128xf32, #tpu.memory_space<hbm>> -> memref<80x128xf32, #tpu.memory_space<hbm>>
        %dma_start3A_141 = arith.constant 0 : i32
        %dma_start3A_142 = tpu.memref_slice %arg2[%add3A_138, %dma_start3A_141] : memref<320000x128xf32, #tpu.memory_space<hbm>> -> memref<80x128xf32, #tpu.memory_space<hbm>>
        tpu.enqueue_dma source(%dma_start3A_142 : memref<80x128xf32, #tpu.memory_space<hbm>>) target(%arg8 : memref<80x128xf32, #tpu.memory_space<vmem>>) target_semaphore(%arg11 : memref<!tpu.dma_semaphore, #tpu.memory_space<semaphore_mem>>)
      } else {
      }
      %dma_start3A_97 = arith.constant 0 : i32
      %dma_start3A_98 = arith.constant 0 : i32
      %dma_start3A_99 = tpu.memref_slice %arg9[%dma_start3A_97, %dma_start3A_98] : memref<10240x128xf32, #tpu.memory_space<vmem_shared>> -> memref<10240x128xf32, #tpu.memory_space<vmem_shared>>
      tpu.enqueue_indirect_dma source(%arg7 : memref<80x128xf32, #tpu.memory_space<vmem>>) target(%dma_start3A_99 : memref<10240x128xf32, #tpu.memory_space<vmem_shared>>) offsets(%arg5 : memref<80xi32, #tpu.memory_space<vmem>>) semaphore(%arg12 : memref<!tpu.dma_semaphore, #tpu.memory_space<semaphore_mem>>) {add = true}
      %mul3A_100 = arith.constant 2 : i32
      %mul3A_101 = arith.muli %mul3A_100, %scan3A_76 : i32
      %add3A_102 = arith.constant 1 : i32
      %add3A_103 = arith.addi %mul3A_101, %add3A_102 : i32
      %ge3A_104 = arith.constant 0 : i32
      %ge3A_105 = arith.cmpi sge, %scan3A_76, %ge3A_104 : i32
      %convert_element_type3A_106 = arith.extui %ge3A_105 : i1 to i32
      %cond3A_107 = arith.constant 0 : i32
      %cond3A_108 = arith.cmpi ne, %convert_element_type3A_106, %cond3A_107 : i32
      scf.if %cond3A_108 {
        %dma_wait3A_129 = arith.constant 0 : i32
        %dma_wait3A_130 = arith.constant 0 : i32
        %dma_wait3A_131 = tpu.memref_slice %arg9[%dma_wait3A_129, %dma_wait3A_130] : memref<10240x128xf32, #tpu.memory_space<vmem_shared>> -> memref<10240x128xf32, #tpu.memory_space<vmem_shared>>
        tpu.wait_indirect_dma semaphore(%arg12 : memref<!tpu.dma_semaphore, #tpu.memory_space<semaphore_mem>>) src(%arg7 : memref<80x128xf32, #tpu.memory_space<vmem>>) dst(%dma_wait3A_131 : memref<10240x128xf32, #tpu.memory_space<vmem_shared>>)
      } else {
      }
      %dma_wait3A_109 = arith.constant 0 : i32
      %dma_wait3A_110 = tpu.memref_slice %arg3[%dma_wait3A_109] : memref<320000xi32, #tpu.memory_space<hbm>> -> memref<80xi32, #tpu.memory_space<hbm>>
      %dma_wait3A_111 = arith.constant 0 : i32
      %dma_wait3A_112 = tpu.memref_slice %arg3[%dma_wait3A_111] : memref<320000xi32, #tpu.memory_space<hbm>> -> memref<80xi32, #tpu.memory_space<hbm>>
      tpu.wait_dma2 semaphore(%arg10 : memref<!tpu.dma_semaphore, #tpu.memory_space<semaphore_mem>>) src(%dma_wait3A_112 : memref<80xi32, #tpu.memory_space<hbm>>) dst(%arg6 : memref<80xi32, #tpu.memory_space<vmem>>)
      %dma_wait3A_113 = arith.constant 0 : i32
      %dma_wait3A_114 = arith.constant 0 : i32
      %dma_wait3A_115 = tpu.memref_slice %arg2[%dma_wait3A_113, %dma_wait3A_114] : memref<320000x128xf32, #tpu.memory_space<hbm>> -> memref<80x128xf32, #tpu.memory_space<hbm>>
      %dma_wait3A_116 = arith.constant 0 : i32
      %dma_wait3A_117 = arith.constant 0 : i32
      %dma_wait3A_118 = tpu.memref_slice %arg2[%dma_wait3A_116, %dma_wait3A_117] : memref<320000x128xf32, #tpu.memory_space<hbm>> -> memref<80x128xf32, #tpu.memory_space<hbm>>
      tpu.wait_dma2 semaphore(%arg11 : memref<!tpu.dma_semaphore, #tpu.memory_space<semaphore_mem>>) src(%dma_wait3A_118 : memref<80x128xf32, #tpu.memory_space<hbm>>) dst(%arg8 : memref<80x128xf32, #tpu.memory_space<vmem>>)
      %add3A_119 = arith.constant 1 : i32
      %add3A_120 = arith.addi %add3A_103, %add3A_119 : i32
      %lt3A_121 = arith.constant 125 : i32
      %lt3A_122 = arith.cmpi slt, %add3A_120, %lt3A_121 : i32
      %convert_element_type3A_123 = arith.extui %lt3A_122 : i1 to i32
      %cond3A_124 = arith.constant 0 : i32
      %cond3A_125 = arith.cmpi ne, %convert_element_type3A_123, %cond3A_124 : i32
      scf.if %cond3A_125 {
        %add3A_129 = arith.constant 1 : i32
        %add3A_130 = arith.addi %add3A_103, %add3A_129 : i32
        %mul3A_131 = arith.constant 80 : i32
        %mul3A_132 = arith.muli %add3A_130, %mul3A_131 : i32
        %add3A_133 = arith.addi %mul3A_41, %mul3A_132 : i32
        %dma_start3A_134 = tpu.memref_slice %arg3[%add3A_133] : memref<320000xi32, #tpu.memory_space<hbm>> -> memref<80xi32, #tpu.memory_space<hbm>>
        %dma_start3A_135 = tpu.memref_slice %arg3[%add3A_133] : memref<320000xi32, #tpu.memory_space<hbm>> -> memref<80xi32, #tpu.memory_space<hbm>>
        tpu.enqueue_dma source(%dma_start3A_135 : memref<80xi32, #tpu.memory_space<hbm>>) target(%arg5 : memref<80xi32, #tpu.memory_space<vmem>>) target_semaphore(%arg10 : memref<!tpu.dma_semaphore, #tpu.memory_space<semaphore_mem>>)
        %mul3A_136 = arith.constant 80 : i32
        %mul3A_137 = arith.muli %add3A_130, %mul3A_136 : i32
        %add3A_138 = arith.addi %mul3A_41, %mul3A_137 : i32
        %dma_start3A_139 = arith.constant 0 : i32
        %dma_start3A_140 = tpu.memref_slice %arg2[%add3A_138, %dma_start3A_139] : memref<320000x128xf32, #tpu.memory_space<hbm>> -> memref<80x128xf32, #tpu.memory_space<hbm>>
        %dma_start3A_141 = arith.constant 0 : i32
        %dma_start3A_142 = tpu.memref_slice %arg2[%add3A_138, %dma_start3A_141] : memref<320000x128xf32, #tpu.memory_space<hbm>> -> memref<80x128xf32, #tpu.memory_space<hbm>>
        tpu.enqueue_dma source(%dma_start3A_142 : memref<80x128xf32, #tpu.memory_space<hbm>>) target(%arg7 : memref<80x128xf32, #tpu.memory_space<vmem>>) target_semaphore(%arg11 : memref<!tpu.dma_semaphore, #tpu.memory_space<semaphore_mem>>)
      } else {
      }
      %dma_start3A_126 = arith.constant 0 : i32
      %dma_start3A_127 = arith.constant 0 : i32
      %dma_start3A_128 = tpu.memref_slice %arg9[%dma_start3A_126, %dma_start3A_127] : memref<10240x128xf32, #tpu.memory_space<vmem_shared>> -> memref<10240x128xf32, #tpu.memory_space<vmem_shared>>
      tpu.enqueue_indirect_dma source(%arg8 : memref<80x128xf32, #tpu.memory_space<vmem>>) target(%dma_start3A_128 : memref<10240x128xf32, #tpu.memory_space<vmem_shared>>) offsets(%arg6 : memref<80xi32, #tpu.memory_space<vmem>>) semaphore(%arg12 : memref<!tpu.dma_semaphore, #tpu.memory_space<semaphore_mem>>) {add = true}
    }
    %scan3A_56 = arith.constant 62 : i32
    %dma_wait3A = arith.constant 0 : i32
    %dma_wait3A_57 = arith.constant 0 : i32
    %dma_wait3A_58 = tpu.memref_slice %arg9[%dma_wait3A, %dma_wait3A_57] : memref<10240x128xf32, #tpu.memory_space<vmem_shared>> -> memref<10240x128xf32, #tpu.memory_space<vmem_shared>>
    tpu.wait_indirect_dma semaphore(%arg12 : memref<!tpu.dma_semaphore, #tpu.memory_space<semaphore_mem>>) src(%arg8 : memref<80x128xf32, #tpu.memory_space<vmem>>) dst(%dma_wait3A_58 : memref<10240x128xf32, #tpu.memory_space<vmem_shared>>)
    %dma_wait3A_59 = arith.constant 0 : i32
    %dma_wait3A_60 = tpu.memref_slice %arg3[%dma_wait3A_59] : memref<320000xi32, #tpu.memory_space<hbm>> -> memref<80xi32, #tpu.memory_space<hbm>>
    %dma_wait3A_61 = arith.constant 0 : i32
    %dma_wait3A_62 = tpu.memref_slice %arg3[%dma_wait3A_61] : memref<320000xi32, #tpu.memory_space<hbm>> -> memref<80xi32, #tpu.memory_space<hbm>>
    tpu.wait_dma2 semaphore(%arg10 : memref<!tpu.dma_semaphore, #tpu.memory_space<semaphore_mem>>) src(%dma_wait3A_62 : memref<80xi32, #tpu.memory_space<hbm>>) dst(%arg5 : memref<80xi32, #tpu.memory_space<vmem>>)
    %dma_wait3A_63 = arith.constant 0 : i32
    %dma_wait3A_64 = arith.constant 0 : i32
    %dma_wait3A_65 = tpu.memref_slice %arg2[%dma_wait3A_63, %dma_wait3A_64] : memref<320000x128xf32, #tpu.memory_space<hbm>> -> memref<80x128xf32, #tpu.memory_space<hbm>>
    %dma_wait3A_66 = arith.constant 0 : i32
    %dma_wait3A_67 = arith.constant 0 : i32
    %dma_wait3A_68 = tpu.memref_slice %arg2[%dma_wait3A_66, %dma_wait3A_67] : memref<320000x128xf32, #tpu.memory_space<hbm>> -> memref<80x128xf32, #tpu.memory_space<hbm>>
    tpu.wait_dma2 semaphore(%arg11 : memref<!tpu.dma_semaphore, #tpu.memory_space<semaphore_mem>>) src(%dma_wait3A_68 : memref<80x128xf32, #tpu.memory_space<hbm>>) dst(%arg7 : memref<80x128xf32, #tpu.memory_space<vmem>>)
    %dma_start3A_69 = arith.constant 0 : i32
    %dma_start3A_70 = arith.constant 0 : i32
    %dma_start3A_71 = tpu.memref_slice %arg9[%dma_start3A_69, %dma_start3A_70] : memref<10240x128xf32, #tpu.memory_space<vmem_shared>> -> memref<10240x128xf32, #tpu.memory_space<vmem_shared>>
    tpu.enqueue_indirect_dma source(%arg7 : memref<80x128xf32, #tpu.memory_space<vmem>>) target(%dma_start3A_71 : memref<10240x128xf32, #tpu.memory_space<vmem_shared>>) offsets(%arg5 : memref<80xi32, #tpu.memory_space<vmem>>) semaphore(%arg12 : memref<!tpu.dma_semaphore, #tpu.memory_space<semaphore_mem>>) {add = true}
    %dma_wait3A_72 = arith.constant 0 : i32
    %dma_wait3A_73 = arith.constant 0 : i32
    %dma_wait3A_74 = tpu.memref_slice %arg9[%dma_wait3A_72, %dma_wait3A_73] : memref<10240x128xf32, #tpu.memory_space<vmem_shared>> -> memref<10240x128xf32, #tpu.memory_space<vmem_shared>>
    tpu.wait_indirect_dma semaphore(%arg12 : memref<!tpu.dma_semaphore, #tpu.memory_space<semaphore_mem>>) src(%arg7 : memref<80x128xf32, #tpu.memory_space<vmem>>) dst(%dma_wait3A_74 : memref<10240x128xf32, #tpu.memory_space<vmem_shared>>)
    %barrier3A_75 = arith.constant 0 : index
    tpu.barrier barrier_id(%barrier3A_75)
    "tpu.region"() ({
      %run_scoped3A = tpu.sem_alloc : memref<!tpu.dma_semaphore, #tpu.memory_space<semaphore_mem>>
      %dma_start3A_76 = arith.constant 0 : i32
      %dma_start3A_77 = tpu.memref_slice %arg4[%arg0, %mul3A_2, %dma_start3A_76] : memref<2x10240x128xf32, #tpu.memory_space<hbm>> -> memref<1x640x128xf32, #tpu.memory_space<hbm>>
      %dma_start3A_78 = tpu.memref_squeeze %dma_start3A_77 : memref<1x640x128xf32, #tpu.memory_space<hbm>> -> memref<640x128xf32, #tpu.memory_space<hbm>>
      %dma_start3A_79 = arith.constant 0 : i32
      %dma_start3A_80 = tpu.memref_slice %arg9[%mul3A_2, %dma_start3A_79] : memref<10240x128xf32, #tpu.memory_space<vmem_shared>> -> memref<640x128xf32, #tpu.memory_space<vmem_shared>>
      tpu.enqueue_dma source(%dma_start3A_80 : memref<640x128xf32, #tpu.memory_space<vmem_shared>>) target(%dma_start3A_78 : memref<640x128xf32, #tpu.memory_space<hbm>>) target_semaphore(%run_scoped3A : memref<!tpu.dma_semaphore, #tpu.memory_space<semaphore_mem>>)
      %dma_wait3A_81 = arith.constant 0 : i32
      %dma_wait3A_82 = tpu.memref_slice %arg4[%arg0, %mul3A_2, %dma_wait3A_81] : memref<2x10240x128xf32, #tpu.memory_space<hbm>> -> memref<1x640x128xf32, #tpu.memory_space<hbm>>
      %dma_wait3A_83 = tpu.memref_squeeze %dma_wait3A_82 : memref<1x640x128xf32, #tpu.memory_space<hbm>> -> memref<640x128xf32, #tpu.memory_space<hbm>>
      %dma_wait3A_84 = arith.constant 0 : i32
      %dma_wait3A_85 = tpu.memref_slice %arg9[%mul3A_2, %dma_wait3A_84] : memref<10240x128xf32, #tpu.memory_space<vmem_shared>> -> memref<640x128xf32, #tpu.memory_space<vmem_shared>>
      tpu.wait_dma2 semaphore(%run_scoped3A : memref<!tpu.dma_semaphore, #tpu.memory_space<semaphore_mem>>) src(%dma_wait3A_85 : memref<640x128xf32, #tpu.memory_space<vmem_shared>>) dst(%dma_wait3A_83 : memref<640x128xf32, #tpu.memory_space<hbm>>)
      tpu.yield
    }) : () -> ()
    return
  }
}

#map = affine_map<(d0, d1) -> (0, 0)>
#map1 = affine_map<(d0, d1) -> (0)>
module attributes {stable_mosaic.version = 14 : i64} {
  func.func @_sc_gather(%arg0: i32, %arg1: i32, %arg2: memref<10240x128xf32, #tpu.memory_space<hbm>>, %arg3: memref<10240x128xf32, #tpu.memory_space<hbm>>, %arg4: memref<320000xi32, #tpu.memory_space<hbm>>, %arg5: memref<320000xi32, #tpu.memory_space<hbm>>, %arg6: memref<10000xf32, #tpu.memory_space<hbm>>, %arg7: memref<10000xf32, #tpu.memory_space<hbm>>, %arg8: memref<320000x128xf32, #tpu.memory_space<hbm>>, %arg9: memref<320000x128xf32, #tpu.memory_space<hbm>>, %arg10: memref<320000xf32, #tpu.memory_space<hbm>>, %arg11: memref<80xi32, #tpu.memory_space<vmem>>, %arg12: memref<80xi32, #tpu.memory_space<vmem>>, %arg13: memref<80xi32, #tpu.memory_space<vmem>>, %arg14: memref<80xi32, #tpu.memory_space<vmem>>, %arg15: memref<80x128xf32, #tpu.memory_space<vmem>>, %arg16: memref<80x128xf32, #tpu.memory_space<vmem>>, %arg17: memref<80xf32, #tpu.memory_space<vmem>>, %arg18: memref<80xf32, #tpu.memory_space<vmem>>, %arg19: memref<10000xf32, #tpu.memory_space<vmem>>, %arg20: memref<10000xf32, #tpu.memory_space<vmem>>, %arg21: memref<10240x128xf32, #tpu.memory_space<vmem_shared>>, %arg22: memref<!tpu.dma_semaphore, #tpu.memory_space<semaphore_mem>>, %arg23: memref<!tpu.dma_semaphore, #tpu.memory_space<semaphore_mem>>, %arg24: memref<!tpu.dma_semaphore, #tpu.memory_space<semaphore_mem>>, %arg25: memref<!tpu.dma_semaphore, #tpu.memory_space<semaphore_mem>>) attributes {dimension_semantics = [#tpu.dimension_semantics<core_parallel>, #tpu.dimension_semantics<subcore_parallel>], iteration_bounds = array<i64: 2, 16>, scalar_prefetch = 0 : i64, scratch_operands = 15 : i64, tpu.core_type = #tpu.core_type<sc_vector_subcore>, window_params = [{transform_indices = #map}, {transform_indices = #map}, {transform_indices = #map1}, {transform_indices = #map1}, {transform_indices = #map1}, {transform_indices = #map1}, {transform_indices = #map}, {transform_indices = #map}, {transform_indices = #map1}]} {
    %mul3A = arith.constant 640 : i32
    %mul3A_0 = arith.muli %arg1, %mul3A : i32
    %eq3A = arith.constant 0 : i32
    %eq3A_1 = arith.cmpi eq, %arg0, %eq3A : i32
    %convert_element_type3A = arith.extui %eq3A_1 : i1 to i32
    %cond3A = arith.constant 0 : i32
    %cond3A_2 = arith.cmpi ne, %convert_element_type3A, %cond3A : i32
    scf.if %cond3A_2 {
      "tpu.region"() ({
        %run_scoped3A = tpu.sem_alloc : memref<!tpu.dma_semaphore, #tpu.memory_space<semaphore_mem>>
        %dma_start3A = arith.constant 0 : i32
        %dma_start3A_20 = tpu.memref_slice %arg21[%mul3A_0, %dma_start3A] : memref<10240x128xf32, #tpu.memory_space<vmem_shared>> -> memref<640x128xf32, #tpu.memory_space<vmem_shared>>
        %dma_start3A_21 = arith.constant 0 : i32
        %dma_start3A_22 = tpu.memref_slice %arg2[%mul3A_0, %dma_start3A_21] : memref<10240x128xf32, #tpu.memory_space<hbm>> -> memref<640x128xf32, #tpu.memory_space<hbm>>
        tpu.enqueue_dma source(%dma_start3A_22 : memref<640x128xf32, #tpu.memory_space<hbm>>) target(%dma_start3A_20 : memref<640x128xf32, #tpu.memory_space<vmem_shared>>) target_semaphore(%run_scoped3A : memref<!tpu.dma_semaphore, #tpu.memory_space<semaphore_mem>>)
        %dma_wait3A = arith.constant 0 : i32
        %dma_wait3A_23 = tpu.memref_slice %arg21[%mul3A_0, %dma_wait3A] : memref<10240x128xf32, #tpu.memory_space<vmem_shared>> -> memref<640x128xf32, #tpu.memory_space<vmem_shared>>
        %dma_wait3A_24 = arith.constant 0 : i32
        %dma_wait3A_25 = tpu.memref_slice %arg2[%mul3A_0, %dma_wait3A_24] : memref<10240x128xf32, #tpu.memory_space<hbm>> -> memref<640x128xf32, #tpu.memory_space<hbm>>
        tpu.wait_dma2 semaphore(%run_scoped3A : memref<!tpu.dma_semaphore, #tpu.memory_space<semaphore_mem>>) src(%dma_wait3A_25 : memref<640x128xf32, #tpu.memory_space<hbm>>) dst(%dma_wait3A_23 : memref<640x128xf32, #tpu.memory_space<vmem_shared>>)
        tpu.yield
      }) : () -> ()
      "tpu.region"() ({
        %run_scoped3A = tpu.sem_alloc : memref<!tpu.dma_semaphore, #tpu.memory_space<semaphore_mem>>
        tpu.enqueue_dma source(%arg6 : memref<10000xf32, #tpu.memory_space<hbm>>) target(%arg19 : memref<10000xf32, #tpu.memory_space<vmem>>) target_semaphore(%run_scoped3A : memref<!tpu.dma_semaphore, #tpu.memory_space<semaphore_mem>>)
        tpu.wait_dma2 semaphore(%run_scoped3A : memref<!tpu.dma_semaphore, #tpu.memory_space<semaphore_mem>>) src(%arg6 : memref<10000xf32, #tpu.memory_space<hbm>>) dst(%arg19 : memref<10000xf32, #tpu.memory_space<vmem>>)
        tpu.yield
      }) : () -> ()
      "tpu.region"() ({
        %run_scoped3A = tpu.sem_alloc : memref<!tpu.dma_semaphore, #tpu.memory_space<semaphore_mem>>
        tpu.enqueue_dma source(%arg7 : memref<10000xf32, #tpu.memory_space<hbm>>) target(%arg20 : memref<10000xf32, #tpu.memory_space<vmem>>) target_semaphore(%run_scoped3A : memref<!tpu.dma_semaphore, #tpu.memory_space<semaphore_mem>>)
        tpu.wait_dma2 semaphore(%run_scoped3A : memref<!tpu.dma_semaphore, #tpu.memory_space<semaphore_mem>>) src(%arg7 : memref<10000xf32, #tpu.memory_space<hbm>>) dst(%arg20 : memref<10000xf32, #tpu.memory_space<vmem>>)
        tpu.yield
      }) : () -> ()
    } else {
    }
    %eq3A_3 = arith.constant 1 : i32
    %eq3A_4 = arith.cmpi eq, %arg0, %eq3A_3 : i32
    %convert_element_type3A_5 = arith.extui %eq3A_4 : i1 to i32
    %cond3A_6 = arith.constant 0 : i32
    %cond3A_7 = arith.cmpi ne, %convert_element_type3A_5, %cond3A_6 : i32
    scf.if %cond3A_7 {
      "tpu.region"() ({
        %run_scoped3A = tpu.sem_alloc : memref<!tpu.dma_semaphore, #tpu.memory_space<semaphore_mem>>
        %dma_start3A = arith.constant 0 : i32
        %dma_start3A_20 = tpu.memref_slice %arg21[%mul3A_0, %dma_start3A] : memref<10240x128xf32, #tpu.memory_space<vmem_shared>> -> memref<640x128xf32, #tpu.memory_space<vmem_shared>>
        %dma_start3A_21 = arith.constant 0 : i32
        %dma_start3A_22 = tpu.memref_slice %arg3[%mul3A_0, %dma_start3A_21] : memref<10240x128xf32, #tpu.memory_space<hbm>> -> memref<640x128xf32, #tpu.memory_space<hbm>>
        tpu.enqueue_dma source(%dma_start3A_22 : memref<640x128xf32, #tpu.memory_space<hbm>>) target(%dma_start3A_20 : memref<640x128xf32, #tpu.memory_space<vmem_shared>>) target_semaphore(%run_scoped3A : memref<!tpu.dma_semaphore, #tpu.memory_space<semaphore_mem>>)
        %dma_wait3A = arith.constant 0 : i32
        %dma_wait3A_23 = tpu.memref_slice %arg21[%mul3A_0, %dma_wait3A] : memref<10240x128xf32, #tpu.memory_space<vmem_shared>> -> memref<640x128xf32, #tpu.memory_space<vmem_shared>>
        %dma_wait3A_24 = arith.constant 0 : i32
        %dma_wait3A_25 = tpu.memref_slice %arg3[%mul3A_0, %dma_wait3A_24] : memref<10240x128xf32, #tpu.memory_space<hbm>> -> memref<640x128xf32, #tpu.memory_space<hbm>>
        tpu.wait_dma2 semaphore(%run_scoped3A : memref<!tpu.dma_semaphore, #tpu.memory_space<semaphore_mem>>) src(%dma_wait3A_25 : memref<640x128xf32, #tpu.memory_space<hbm>>) dst(%dma_wait3A_23 : memref<640x128xf32, #tpu.memory_space<vmem_shared>>)
        tpu.yield
      }) : () -> ()
    } else {
    }
    %barrier3A = arith.constant 0 : index
    tpu.barrier barrier_id(%barrier3A)
    %mul3A_8 = arith.constant 20000 : i32
    %mul3A_9 = arith.muli %arg1, %mul3A_8 : i32
    %eq3A_10 = arith.constant 0 : i32
    %eq3A_11 = arith.cmpi eq, %arg0, %eq3A_10 : i32
    %convert_element_type3A_12 = arith.extui %eq3A_11 : i1 to i32
    %cond3A_13 = arith.constant 0 : i32
    %cond3A_14 = arith.cmpi ne, %convert_element_type3A_12, %cond3A_13 : i32
    scf.if %cond3A_14 {
      %add3A = arith.constant 0 : i32
      %add3A_20 = arith.addi %mul3A_9, %add3A : i32
      %dma_start3A = tpu.memref_slice %arg4[%add3A_20] : memref<320000xi32, #tpu.memory_space<hbm>> -> memref<80xi32, #tpu.memory_space<hbm>>
      %dma_start3A_21 = tpu.memref_slice %arg4[%add3A_20] : memref<320000xi32, #tpu.memory_space<hbm>> -> memref<80xi32, #tpu.memory_space<hbm>>
      tpu.enqueue_dma source(%dma_start3A_21 : memref<80xi32, #tpu.memory_space<hbm>>) target(%arg11 : memref<80xi32, #tpu.memory_space<vmem>>) target_semaphore(%arg22 : memref<!tpu.dma_semaphore, #tpu.memory_space<semaphore_mem>>)
      %add3A_22 = arith.constant 0 : i32
      %add3A_23 = arith.addi %mul3A_9, %add3A_22 : i32
      %dma_start3A_24 = tpu.memref_slice %arg5[%add3A_23] : memref<320000xi32, #tpu.memory_space<hbm>> -> memref<80xi32, #tpu.memory_space<hbm>>
      %dma_start3A_25 = tpu.memref_slice %arg5[%add3A_23] : memref<320000xi32, #tpu.memory_space<hbm>> -> memref<80xi32, #tpu.memory_space<hbm>>
      tpu.enqueue_dma source(%dma_start3A_25 : memref<80xi32, #tpu.memory_space<hbm>>) target(%arg13 : memref<80xi32, #tpu.memory_space<vmem>>) target_semaphore(%arg22 : memref<!tpu.dma_semaphore, #tpu.memory_space<semaphore_mem>>)
      %scan3A = arith.constant 0 : i32
      %scan3A_26 = arith.constant 0 : i32
      %scan3A_27 = arith.constant 125 : i32
      %scan3A_28 = arith.addi %scan3A_26, %scan3A_27 : i32
      %scan3A_29 = arith.constant 1 : i32
      scf.for %scan3A_50 = %scan3A_26 to %scan3A_28 step %scan3A_29  : i32 {
        %mul3A_51 = arith.constant 2 : i32
        %mul3A_52 = arith.muli %mul3A_51, %scan3A_50 : i32
        %mul3A_53 = arith.constant 80 : i32
        %mul3A_54 = arith.muli %mul3A_52, %mul3A_53 : i32
        %add3A_55 = arith.addi %mul3A_9, %mul3A_54 : i32
        %dma_wait3A_56 = arith.constant 0 : i32
        %dma_wait3A_57 = tpu.memref_slice %arg4[%dma_wait3A_56] : memref<320000xi32, #tpu.memory_space<hbm>> -> memref<80xi32, #tpu.memory_space<hbm>>
        %dma_wait3A_58 = arith.constant 0 : i32
        %dma_wait3A_59 = tpu.memref_slice %arg4[%dma_wait3A_58] : memref<320000xi32, #tpu.memory_space<hbm>> -> memref<80xi32, #tpu.memory_space<hbm>>
        tpu.wait_dma2 semaphore(%arg22 : memref<!tpu.dma_semaphore, #tpu.memory_space<semaphore_mem>>) src(%dma_wait3A_59 : memref<80xi32, #tpu.memory_space<hbm>>) dst(%arg11 : memref<80xi32, #tpu.memory_space<vmem>>)
        %dma_wait3A_60 = arith.constant 0 : i32
        %dma_wait3A_61 = tpu.memref_slice %arg5[%dma_wait3A_60] : memref<320000xi32, #tpu.memory_space<hbm>> -> memref<80xi32, #tpu.memory_space<hbm>>
        %dma_wait3A_62 = arith.constant 0 : i32
        %dma_wait3A_63 = tpu.memref_slice %arg5[%dma_wait3A_62] : memref<320000xi32, #tpu.memory_space<hbm>> -> memref<80xi32, #tpu.memory_space<hbm>>
        tpu.wait_dma2 semaphore(%arg22 : memref<!tpu.dma_semaphore, #tpu.memory_space<semaphore_mem>>) src(%dma_wait3A_63 : memref<80xi32, #tpu.memory_space<hbm>>) dst(%arg13 : memref<80xi32, #tpu.memory_space<vmem>>)
        %add3A_64 = arith.constant 1 : i32
        %add3A_65 = arith.addi %mul3A_52, %add3A_64 : i32
        %lt3A = arith.constant 250 : i32
        %lt3A_66 = arith.cmpi slt, %add3A_65, %lt3A : i32
        %convert_element_type3A_67 = arith.extui %lt3A_66 : i1 to i32
        %cond3A_68 = arith.constant 0 : i32
        %cond3A_69 = arith.cmpi ne, %convert_element_type3A_67, %cond3A_68 : i32
        scf.if %cond3A_69 {
          %add3A_271 = arith.constant 1 : i32
          %add3A_272 = arith.addi %mul3A_52, %add3A_271 : i32
          %mul3A_273 = arith.constant 80 : i32
          %mul3A_274 = arith.muli %add3A_272, %mul3A_273 : i32
          %add3A_275 = arith.addi %mul3A_9, %mul3A_274 : i32
          %dma_start3A_276 = tpu.memref_slice %arg4[%add3A_275] : memref<320000xi32, #tpu.memory_space<hbm>> -> memref<80xi32, #tpu.memory_space<hbm>>
          %dma_start3A_277 = tpu.memref_slice %arg4[%add3A_275] : memref<320000xi32, #tpu.memory_space<hbm>> -> memref<80xi32, #tpu.memory_space<hbm>>
          tpu.enqueue_dma source(%dma_start3A_277 : memref<80xi32, #tpu.memory_space<hbm>>) target(%arg12 : memref<80xi32, #tpu.memory_space<vmem>>) target_semaphore(%arg22 : memref<!tpu.dma_semaphore, #tpu.memory_space<semaphore_mem>>)
          %mul3A_278 = arith.constant 80 : i32
          %mul3A_279 = arith.muli %add3A_272, %mul3A_278 : i32
          %add3A_280 = arith.addi %mul3A_9, %mul3A_279 : i32
          %dma_start3A_281 = tpu.memref_slice %arg5[%add3A_280] : memref<320000xi32, #tpu.memory_space<hbm>> -> memref<80xi32, #tpu.memory_space<hbm>>
          %dma_start3A_282 = tpu.memref_slice %arg5[%add3A_280] : memref<320000xi32, #tpu.memory_space<hbm>> -> memref<80xi32, #tpu.memory_space<hbm>>
          tpu.enqueue_dma source(%dma_start3A_282 : memref<80xi32, #tpu.memory_space<hbm>>) target(%arg14 : memref<80xi32, #tpu.memory_space<vmem>>) target_semaphore(%arg22 : memref<!tpu.dma_semaphore, #tpu.memory_space<semaphore_mem>>)
        } else {
        }
        %ge3A = arith.constant 1 : i32
        %ge3A_70 = arith.cmpi sge, %scan3A_50, %ge3A : i32
        %convert_element_type3A_71 = arith.extui %ge3A_70 : i1 to i32
        %cond3A_72 = arith.constant 0 : i32
        %cond3A_73 = arith.cmpi ne, %convert_element_type3A_71, %cond3A_72 : i32
        scf.if %cond3A_73 {
          %dma_wait3A_271 = arith.constant 0 : i32
          %dma_wait3A_272 = tpu.memref_slice %arg8[%add3A_55, %dma_wait3A_271] : memref<320000x128xf32, #tpu.memory_space<hbm>> -> memref<80x128xf32, #tpu.memory_space<hbm>>
          %dma_wait3A_273 = arith.constant 0 : i32
          %dma_wait3A_274 = tpu.memref_slice %arg8[%add3A_55, %dma_wait3A_273] : memref<320000x128xf32, #tpu.memory_space<hbm>> -> memref<80x128xf32, #tpu.memory_space<hbm>>
          tpu.wait_dma2 semaphore(%arg24 : memref<!tpu.dma_semaphore, #tpu.memory_space<semaphore_mem>>) src(%arg15 : memref<80x128xf32, #tpu.memory_space<vmem>>) dst(%dma_wait3A_274 : memref<80x128xf32, #tpu.memory_space<hbm>>)
          %dma_wait3A_275 = tpu.memref_slice %arg10[%add3A_55] : memref<320000xf32, #tpu.memory_space<hbm>> -> memref<80xf32, #tpu.memory_space<hbm>>
          %dma_wait3A_276 = tpu.memref_slice %arg10[%add3A_55] : memref<320000xf32, #tpu.memory_space<hbm>> -> memref<80xf32, #tpu.memory_space<hbm>>
          tpu.wait_dma2 semaphore(%arg25 : memref<!tpu.dma_semaphore, #tpu.memory_space<semaphore_mem>>) src(%arg17 : memref<80xf32, #tpu.memory_space<vmem>>) dst(%dma_wait3A_276 : memref<80xf32, #tpu.memory_space<hbm>>)
        } else {
        }
        %dma_start3A_74 = arith.constant 0 : i32
        %dma_start3A_75 = arith.constant 0 : i32
        %dma_start3A_76 = tpu.memref_slice %arg21[%dma_start3A_74, %dma_start3A_75] : memref<10240x128xf32, #tpu.memory_space<vmem_shared>> -> memref<10240x128xf32, #tpu.memory_space<vmem_shared>>
        tpu.enqueue_indirect_dma source(%dma_start3A_76 : memref<10240x128xf32, #tpu.memory_space<vmem_shared>>) target(%arg15 : memref<80x128xf32, #tpu.memory_space<vmem>>) offsets(%arg11 : memref<80xi32, #tpu.memory_space<vmem>>) semaphore(%arg23 : memref<!tpu.dma_semaphore, #tpu.memory_space<semaphore_mem>>)
        %get3A = arith.constant 0 : index
        %get3A_77 = tpu.vector_load %arg11[%get3A] {strides = array<i32>} : memref<80xi32, #tpu.memory_space<vmem>>, vector<16xi32>,
        %get3A_78 = arith.constant 0 : index
        %get3A_79 = tpu.vector_load %arg13[%get3A_78] {strides = array<i32>} : memref<80xi32, #tpu.memory_space<vmem>>, vector<16xi32>,
        %gather3A = tpu.vector_load_idx %arg19[%get3A_77] : memref<10000xf32, #tpu.memory_space<vmem>>[vector<16xi32>], vector<16xf32>,
        %gather3A_80 = tpu.vector_load_idx %arg19[%get3A_79] : memref<10000xf32, #tpu.memory_space<vmem>>[vector<16xi32>], vector<16xf32>,
        %sub3A = arith.subf %gather3A, %gather3A_80 : vector<16xf32>
        %gather3A_81 = tpu.vector_load_idx %arg20[%get3A_77] : memref<10000xf32, #tpu.memory_space<vmem>>[vector<16xi32>], vector<16xf32>,
        %gather3A_82 = tpu.vector_load_idx %arg20[%get3A_79] : memref<10000xf32, #tpu.memory_space<vmem>>[vector<16xi32>], vector<16xf32>,
        %sub3A_83 = arith.subf %gather3A_81, %gather3A_82 : vector<16xf32>
        %mul3A_84 = arith.mulf %sub3A, %sub3A : vector<16xf32>
        %mul3A_85 = arith.mulf %sub3A_83, %sub3A_83 : vector<16xf32>
        %add3A_86 = arith.addf %mul3A_84, %mul3A_85 : vector<16xf32>
        %swap3A = arith.constant 0 : index
        %swap3A_87 = tpu.vector_load %arg17[%swap3A] {strides = array<i32>} : memref<80xf32, #tpu.memory_space<vmem>>, vector<16xf32>,
        tpu.vector_store %arg17[%swap3A], %add3A_86 {strides = array<i32>} : memref<80xf32, #tpu.memory_space<vmem>>, vector<16xf32>,
        %get3A_88 = arith.constant 16 : index
        %get3A_89 = tpu.vector_load %arg11[%get3A_88] {strides = array<i32>} : memref<80xi32, #tpu.memory_space<vmem>>, vector<16xi32>,
        %get3A_90 = arith.constant 16 : index
        %get3A_91 = tpu.vector_load %arg13[%get3A_90] {strides = array<i32>} : memref<80xi32, #tpu.memory_space<vmem>>, vector<16xi32>,
        %gather3A_92 = tpu.vector_load_idx %arg19[%get3A_89] : memref<10000xf32, #tpu.memory_space<vmem>>[vector<16xi32>], vector<16xf32>,
        %gather3A_93 = tpu.vector_load_idx %arg19[%get3A_91] : memref<10000xf32, #tpu.memory_space<vmem>>[vector<16xi32>], vector<16xf32>,
        %sub3A_94 = arith.subf %gather3A_92, %gather3A_93 : vector<16xf32>
        %gather3A_95 = tpu.vector_load_idx %arg20[%get3A_89] : memref<10000xf32, #tpu.memory_space<vmem>>[vector<16xi32>], vector<16xf32>,
        %gather3A_96 = tpu.vector_load_idx %arg20[%get3A_91] : memref<10000xf32, #tpu.memory_space<vmem>>[vector<16xi32>], vector<16xf32>,
        %sub3A_97 = arith.subf %gather3A_95, %gather3A_96 : vector<16xf32>
        %mul3A_98 = arith.mulf %sub3A_94, %sub3A_94 : vector<16xf32>
        %mul3A_99 = arith.mulf %sub3A_97, %sub3A_97 : vector<16xf32>
        %add3A_100 = arith.addf %mul3A_98, %mul3A_99 : vector<16xf32>
        %swap3A_101 = arith.constant 16 : index
        %swap3A_102 = tpu.vector_load %arg17[%swap3A_101] {strides = array<i32>} : memref<80xf32, #tpu.memory_space<vmem>>, vector<16xf32>,
        tpu.vector_store %arg17[%swap3A_101], %add3A_100 {strides = array<i32>} : memref<80xf32, #tpu.memory_space<vmem>>, vector<16xf32>,
        %get3A_103 = arith.constant 32 : index
        %get3A_104 = tpu.vector_load %arg11[%get3A_103] {strides = array<i32>} : memref<80xi32, #tpu.memory_space<vmem>>, vector<16xi32>,
        %get3A_105 = arith.constant 32 : index
        %get3A_106 = tpu.vector_load %arg13[%get3A_105] {strides = array<i32>} : memref<80xi32, #tpu.memory_space<vmem>>, vector<16xi32>,
        %gather3A_107 = tpu.vector_load_idx %arg19[%get3A_104] : memref<10000xf32, #tpu.memory_space<vmem>>[vector<16xi32>], vector<16xf32>,
        %gather3A_108 = tpu.vector_load_idx %arg19[%get3A_106] : memref<10000xf32, #tpu.memory_space<vmem>>[vector<16xi32>], vector<16xf32>,
        %sub3A_109 = arith.subf %gather3A_107, %gather3A_108 : vector<16xf32>
        %gather3A_110 = tpu.vector_load_idx %arg20[%get3A_104] : memref<10000xf32, #tpu.memory_space<vmem>>[vector<16xi32>], vector<16xf32>,
        %gather3A_111 = tpu.vector_load_idx %arg20[%get3A_106] : memref<10000xf32, #tpu.memory_space<vmem>>[vector<16xi32>], vector<16xf32>,
        %sub3A_112 = arith.subf %gather3A_110, %gather3A_111 : vector<16xf32>
        %mul3A_113 = arith.mulf %sub3A_109, %sub3A_109 : vector<16xf32>
        %mul3A_114 = arith.mulf %sub3A_112, %sub3A_112 : vector<16xf32>
        %add3A_115 = arith.addf %mul3A_113, %mul3A_114 : vector<16xf32>
        %swap3A_116 = arith.constant 32 : index
        %swap3A_117 = tpu.vector_load %arg17[%swap3A_116] {strides = array<i32>} : memref<80xf32, #tpu.memory_space<vmem>>, vector<16xf32>,
        tpu.vector_store %arg17[%swap3A_116], %add3A_115 {strides = array<i32>} : memref<80xf32, #tpu.memory_space<vmem>>, vector<16xf32>,
        %get3A_118 = arith.constant 48 : index
        %get3A_119 = tpu.vector_load %arg11[%get3A_118] {strides = array<i32>} : memref<80xi32, #tpu.memory_space<vmem>>, vector<16xi32>,
        %get3A_120 = arith.constant 48 : index
        %get3A_121 = tpu.vector_load %arg13[%get3A_120] {strides = array<i32>} : memref<80xi32, #tpu.memory_space<vmem>>, vector<16xi32>,
        %gather3A_122 = tpu.vector_load_idx %arg19[%get3A_119] : memref<10000xf32, #tpu.memory_space<vmem>>[vector<16xi32>], vector<16xf32>,
        %gather3A_123 = tpu.vector_load_idx %arg19[%get3A_121] : memref<10000xf32, #tpu.memory_space<vmem>>[vector<16xi32>], vector<16xf32>,
        %sub3A_124 = arith.subf %gather3A_122, %gather3A_123 : vector<16xf32>
        %gather3A_125 = tpu.vector_load_idx %arg20[%get3A_119] : memref<10000xf32, #tpu.memory_space<vmem>>[vector<16xi32>], vector<16xf32>,
        %gather3A_126 = tpu.vector_load_idx %arg20[%get3A_121] : memref<10000xf32, #tpu.memory_space<vmem>>[vector<16xi32>], vector<16xf32>,
        %sub3A_127 = arith.subf %gather3A_125, %gather3A_126 : vector<16xf32>
        %mul3A_128 = arith.mulf %sub3A_124, %sub3A_124 : vector<16xf32>
        %mul3A_129 = arith.mulf %sub3A_127, %sub3A_127 : vector<16xf32>
        %add3A_130 = arith.addf %mul3A_128, %mul3A_129 : vector<16xf32>
        %swap3A_131 = arith.constant 48 : index
        %swap3A_132 = tpu.vector_load %arg17[%swap3A_131] {strides = array<i32>} : memref<80xf32, #tpu.memory_space<vmem>>, vector<16xf32>,
        tpu.vector_store %arg17[%swap3A_131], %add3A_130 {strides = array<i32>} : memref<80xf32, #tpu.memory_space<vmem>>, vector<16xf32>,
        %get3A_133 = arith.constant 64 : index
        %get3A_134 = tpu.vector_load %arg11[%get3A_133] {strides = array<i32>} : memref<80xi32, #tpu.memory_space<vmem>>, vector<16xi32>,
        %get3A_135 = arith.constant 64 : index
        %get3A_136 = tpu.vector_load %arg13[%get3A_135] {strides = array<i32>} : memref<80xi32, #tpu.memory_space<vmem>>, vector<16xi32>,
        %gather3A_137 = tpu.vector_load_idx %arg19[%get3A_134] : memref<10000xf32, #tpu.memory_space<vmem>>[vector<16xi32>], vector<16xf32>,
        %gather3A_138 = tpu.vector_load_idx %arg19[%get3A_136] : memref<10000xf32, #tpu.memory_space<vmem>>[vector<16xi32>], vector<16xf32>,
        %sub3A_139 = arith.subf %gather3A_137, %gather3A_138 : vector<16xf32>
        %gather3A_140 = tpu.vector_load_idx %arg20[%get3A_134] : memref<10000xf32, #tpu.memory_space<vmem>>[vector<16xi32>], vector<16xf32>,
        %gather3A_141 = tpu.vector_load_idx %arg20[%get3A_136] : memref<10000xf32, #tpu.memory_space<vmem>>[vector<16xi32>], vector<16xf32>,
        %sub3A_142 = arith.subf %gather3A_140, %gather3A_141 : vector<16xf32>
        %mul3A_143 = arith.mulf %sub3A_139, %sub3A_139 : vector<16xf32>
        %mul3A_144 = arith.mulf %sub3A_142, %sub3A_142 : vector<16xf32>
        %add3A_145 = arith.addf %mul3A_143, %mul3A_144 : vector<16xf32>
        %swap3A_146 = arith.constant 64 : index
        %swap3A_147 = tpu.vector_load %arg17[%swap3A_146] {strides = array<i32>} : memref<80xf32, #tpu.memory_space<vmem>>, vector<16xf32>,
        tpu.vector_store %arg17[%swap3A_146], %add3A_145 {strides = array<i32>} : memref<80xf32, #tpu.memory_space<vmem>>, vector<16xf32>,
        %dma_wait3A_148 = arith.constant 0 : i32
        %dma_wait3A_149 = arith.constant 0 : i32
        %dma_wait3A_150 = tpu.memref_slice %arg21[%dma_wait3A_148, %dma_wait3A_149] : memref<10240x128xf32, #tpu.memory_space<vmem_shared>> -> memref<10240x128xf32, #tpu.memory_space<vmem_shared>>
        tpu.wait_indirect_dma semaphore(%arg23 : memref<!tpu.dma_semaphore, #tpu.memory_space<semaphore_mem>>) src(%dma_wait3A_150 : memref<10240x128xf32, #tpu.memory_space<vmem_shared>>) dst(%arg15 : memref<80x128xf32, #tpu.memory_space<vmem>>)
        %dma_start3A_151 = arith.constant 0 : i32
        %dma_start3A_152 = tpu.memref_slice %arg8[%add3A_55, %dma_start3A_151] : memref<320000x128xf32, #tpu.memory_space<hbm>> -> memref<80x128xf32, #tpu.memory_space<hbm>>
        %dma_start3A_153 = arith.constant 0 : i32
        %dma_start3A_154 = tpu.memref_slice %arg8[%add3A_55, %dma_start3A_153] : memref<320000x128xf32, #tpu.memory_space<hbm>> -> memref<80x128xf32, #tpu.memory_space<hbm>>
        tpu.enqueue_dma source(%arg15 : memref<80x128xf32, #tpu.memory_space<vmem>>) target(%dma_start3A_154 : memref<80x128xf32, #tpu.memory_space<hbm>>) target_semaphore(%arg24 : memref<!tpu.dma_semaphore, #tpu.memory_space<semaphore_mem>>)
        %dma_start3A_155 = tpu.memref_slice %arg10[%add3A_55] : memref<320000xf32, #tpu.memory_space<hbm>> -> memref<80xf32, #tpu.memory_space<hbm>>
        %dma_start3A_156 = tpu.memref_slice %arg10[%add3A_55] : memref<320000xf32, #tpu.memory_space<hbm>> -> memref<80xf32, #tpu.memory_space<hbm>>
        tpu.enqueue_dma source(%arg17 : memref<80xf32, #tpu.memory_space<vmem>>) target(%dma_start3A_156 : memref<80xf32, #tpu.memory_space<hbm>>) target_semaphore(%arg25 : memref<!tpu.dma_semaphore, #tpu.memory_space<semaphore_mem>>)
        %mul3A_157 = arith.constant 2 : i32
        %mul3A_158 = arith.muli %mul3A_157, %scan3A_50 : i32
        %add3A_159 = arith.constant 1 : i32
        %add3A_160 = arith.addi %mul3A_158, %add3A_159 : i32
        %mul3A_161 = arith.constant 80 : i32
        %mul3A_162 = arith.muli %add3A_160, %mul3A_161 : i32
        %add3A_163 = arith.addi %mul3A_9, %mul3A_162 : i32
        %dma_wait3A_164 = arith.constant 0 : i32
        %dma_wait3A_165 = tpu.memref_slice %arg4[%dma_wait3A_164] : memref<320000xi32, #tpu.memory_space<hbm>> -> memref<80xi32, #tpu.memory_space<hbm>>
        %dma_wait3A_166 = arith.constant 0 : i32
        %dma_wait3A_167 = tpu.memref_slice %arg4[%dma_wait3A_166] : memref<320000xi32, #tpu.memory_space<hbm>> -> memref<80xi32, #tpu.memory_space<hbm>>
        tpu.wait_dma2 semaphore(%arg22 : memref<!tpu.dma_semaphore, #tpu.memory_space<semaphore_mem>>) src(%dma_wait3A_167 : memref<80xi32, #tpu.memory_space<hbm>>) dst(%arg12 : memref<80xi32, #tpu.memory_space<vmem>>)
        %dma_wait3A_168 = arith.constant 0 : i32
        %dma_wait3A_169 = tpu.memref_slice %arg5[%dma_wait3A_168] : memref<320000xi32, #tpu.memory_space<hbm>> -> memref<80xi32, #tpu.memory_space<hbm>>
        %dma_wait3A_170 = arith.constant 0 : i32
        %dma_wait3A_171 = tpu.memref_slice %arg5[%dma_wait3A_170] : memref<320000xi32, #tpu.memory_space<hbm>> -> memref<80xi32, #tpu.memory_space<hbm>>
        tpu.wait_dma2 semaphore(%arg22 : memref<!tpu.dma_semaphore, #tpu.memory_space<semaphore_mem>>) src(%dma_wait3A_171 : memref<80xi32, #tpu.memory_space<hbm>>) dst(%arg14 : memref<80xi32, #tpu.memory_space<vmem>>)
        %add3A_172 = arith.constant 1 : i32
        %add3A_173 = arith.addi %add3A_160, %add3A_172 : i32
        %lt3A_174 = arith.constant 250 : i32
        %lt3A_175 = arith.cmpi slt, %add3A_173, %lt3A_174 : i32
        %convert_element_type3A_176 = arith.extui %lt3A_175 : i1 to i32
        %cond3A_177 = arith.constant 0 : i32
        %cond3A_178 = arith.cmpi ne, %convert_element_type3A_176, %cond3A_177 : i32
        scf.if %cond3A_178 {
          %add3A_271 = arith.constant 1 : i32
          %add3A_272 = arith.addi %add3A_160, %add3A_271 : i32
          %mul3A_273 = arith.constant 80 : i32
          %mul3A_274 = arith.muli %add3A_272, %mul3A_273 : i32
          %add3A_275 = arith.addi %mul3A_9, %mul3A_274 : i32
          %dma_start3A_276 = tpu.memref_slice %arg4[%add3A_275] : memref<320000xi32, #tpu.memory_space<hbm>> -> memref<80xi32, #tpu.memory_space<hbm>>
          %dma_start3A_277 = tpu.memref_slice %arg4[%add3A_275] : memref<320000xi32, #tpu.memory_space<hbm>> -> memref<80xi32, #tpu.memory_space<hbm>>
          tpu.enqueue_dma source(%dma_start3A_277 : memref<80xi32, #tpu.memory_space<hbm>>) target(%arg11 : memref<80xi32, #tpu.memory_space<vmem>>) target_semaphore(%arg22 : memref<!tpu.dma_semaphore, #tpu.memory_space<semaphore_mem>>)
          %mul3A_278 = arith.constant 80 : i32
          %mul3A_279 = arith.muli %add3A_272, %mul3A_278 : i32
          %add3A_280 = arith.addi %mul3A_9, %mul3A_279 : i32
          %dma_start3A_281 = tpu.memref_slice %arg5[%add3A_280] : memref<320000xi32, #tpu.memory_space<hbm>> -> memref<80xi32, #tpu.memory_space<hbm>>
          %dma_start3A_282 = tpu.memref_slice %arg5[%add3A_280] : memref<320000xi32, #tpu.memory_space<hbm>> -> memref<80xi32, #tpu.memory_space<hbm>>
          tpu.enqueue_dma source(%dma_start3A_282 : memref<80xi32, #tpu.memory_space<hbm>>) target(%arg13 : memref<80xi32, #tpu.memory_space<vmem>>) target_semaphore(%arg22 : memref<!tpu.dma_semaphore, #tpu.memory_space<semaphore_mem>>)
        } else {
        }
        %ge3A_179 = arith.constant 1 : i32
        %ge3A_180 = arith.cmpi sge, %scan3A_50, %ge3A_179 : i32
        %convert_element_type3A_181 = arith.extui %ge3A_180 : i1 to i32
        %cond3A_182 = arith.constant 0 : i32
        %cond3A_183 = arith.cmpi ne, %convert_element_type3A_181, %cond3A_182 : i32
        scf.if %cond3A_183 {
          %dma_wait3A_271 = arith.constant 0 : i32
          %dma_wait3A_272 = tpu.memref_slice %arg8[%add3A_163, %dma_wait3A_271] : memref<320000x128xf32, #tpu.memory_space<hbm>> -> memref<80x128xf32, #tpu.memory_space<hbm>>
          %dma_wait3A_273 = arith.constant 0 : i32
          %dma_wait3A_274 = tpu.memref_slice %arg8[%add3A_163, %dma_wait3A_273] : memref<320000x128xf32, #tpu.memory_space<hbm>> -> memref<80x128xf32, #tpu.memory_space<hbm>>
          tpu.wait_dma2 semaphore(%arg24 : memref<!tpu.dma_semaphore, #tpu.memory_space<semaphore_mem>>) src(%arg16 : memref<80x128xf32, #tpu.memory_space<vmem>>) dst(%dma_wait3A_274 : memref<80x128xf32, #tpu.memory_space<hbm>>)
          %dma_wait3A_275 = tpu.memref_slice %arg10[%add3A_163] : memref<320000xf32, #tpu.memory_space<hbm>> -> memref<80xf32, #tpu.memory_space<hbm>>
          %dma_wait3A_276 = tpu.memref_slice %arg10[%add3A_163] : memref<320000xf32, #tpu.memory_space<hbm>> -> memref<80xf32, #tpu.memory_space<hbm>>
          tpu.wait_dma2 semaphore(%arg25 : memref<!tpu.dma_semaphore, #tpu.memory_space<semaphore_mem>>) src(%arg18 : memref<80xf32, #tpu.memory_space<vmem>>) dst(%dma_wait3A_276 : memref<80xf32, #tpu.memory_space<hbm>>)
        } else {
        }
        %dma_start3A_184 = arith.constant 0 : i32
        %dma_start3A_185 = arith.constant 0 : i32
        %dma_start3A_186 = tpu.memref_slice %arg21[%dma_start3A_184, %dma_start3A_185] : memref<10240x128xf32, #tpu.memory_space<vmem_shared>> -> memref<10240x128xf32, #tpu.memory_space<vmem_shared>>
        tpu.enqueue_indirect_dma source(%dma_start3A_186 : memref<10240x128xf32, #tpu.memory_space<vmem_shared>>) target(%arg16 : memref<80x128xf32, #tpu.memory_space<vmem>>) offsets(%arg12 : memref<80xi32, #tpu.memory_space<vmem>>) semaphore(%arg23 : memref<!tpu.dma_semaphore, #tpu.memory_space<semaphore_mem>>)
        %get3A_187 = arith.constant 0 : index
        %get3A_188 = tpu.vector_load %arg12[%get3A_187] {strides = array<i32>} : memref<80xi32, #tpu.memory_space<vmem>>, vector<16xi32>,
        %get3A_189 = arith.constant 0 : index
        %get3A_190 = tpu.vector_load %arg14[%get3A_189] {strides = array<i32>} : memref<80xi32, #tpu.memory_space<vmem>>, vector<16xi32>,
        %gather3A_191 = tpu.vector_load_idx %arg19[%get3A_188] : memref<10000xf32, #tpu.memory_space<vmem>>[vector<16xi32>], vector<16xf32>,
        %gather3A_192 = tpu.vector_load_idx %arg19[%get3A_190] : memref<10000xf32, #tpu.memory_space<vmem>>[vector<16xi32>], vector<16xf32>,
        %sub3A_193 = arith.subf %gather3A_191, %gather3A_192 : vector<16xf32>
        %gather3A_194 = tpu.vector_load_idx %arg20[%get3A_188] : memref<10000xf32, #tpu.memory_space<vmem>>[vector<16xi32>], vector<16xf32>,
        %gather3A_195 = tpu.vector_load_idx %arg20[%get3A_190] : memref<10000xf32, #tpu.memory_space<vmem>>[vector<16xi32>], vector<16xf32>,
        %sub3A_196 = arith.subf %gather3A_194, %gather3A_195 : vector<16xf32>
        %mul3A_197 = arith.mulf %sub3A_193, %sub3A_193 : vector<16xf32>
        %mul3A_198 = arith.mulf %sub3A_196, %sub3A_196 : vector<16xf32>
        %add3A_199 = arith.addf %mul3A_197, %mul3A_198 : vector<16xf32>
        %swap3A_200 = arith.constant 0 : index
        %swap3A_201 = tpu.vector_load %arg18[%swap3A_200] {strides = array<i32>} : memref<80xf32, #tpu.memory_space<vmem>>, vector<16xf32>,
        tpu.vector_store %arg18[%swap3A_200], %add3A_199 {strides = array<i32>} : memref<80xf32, #tpu.memory_space<vmem>>, vector<16xf32>,
        %get3A_202 = arith.constant 16 : index
        %get3A_203 = tpu.vector_load %arg12[%get3A_202] {strides = array<i32>} : memref<80xi32, #tpu.memory_space<vmem>>, vector<16xi32>,
        %get3A_204 = arith.constant 16 : index
        %get3A_205 = tpu.vector_load %arg14[%get3A_204] {strides = array<i32>} : memref<80xi32, #tpu.memory_space<vmem>>, vector<16xi32>,
        %gather3A_206 = tpu.vector_load_idx %arg19[%get3A_203] : memref<10000xf32, #tpu.memory_space<vmem>>[vector<16xi32>], vector<16xf32>,
        %gather3A_207 = tpu.vector_load_idx %arg19[%get3A_205] : memref<10000xf32, #tpu.memory_space<vmem>>[vector<16xi32>], vector<16xf32>,
        %sub3A_208 = arith.subf %gather3A_206, %gather3A_207 : vector<16xf32>
        %gather3A_209 = tpu.vector_load_idx %arg20[%get3A_203] : memref<10000xf32, #tpu.memory_space<vmem>>[vector<16xi32>], vector<16xf32>,
        %gather3A_210 = tpu.vector_load_idx %arg20[%get3A_205] : memref<10000xf32, #tpu.memory_space<vmem>>[vector<16xi32>], vector<16xf32>,
        %sub3A_211 = arith.subf %gather3A_209, %gather3A_210 : vector<16xf32>
        %mul3A_212 = arith.mulf %sub3A_208, %sub3A_208 : vector<16xf32>
        %mul3A_213 = arith.mulf %sub3A_211, %sub3A_211 : vector<16xf32>
        %add3A_214 = arith.addf %mul3A_212, %mul3A_213 : vector<16xf32>
        %swap3A_215 = arith.constant 16 : index
        %swap3A_216 = tpu.vector_load %arg18[%swap3A_215] {strides = array<i32>} : memref<80xf32, #tpu.memory_space<vmem>>, vector<16xf32>,
        tpu.vector_store %arg18[%swap3A_215], %add3A_214 {strides = array<i32>} : memref<80xf32, #tpu.memory_space<vmem>>, vector<16xf32>,
        %get3A_217 = arith.constant 32 : index
        %get3A_218 = tpu.vector_load %arg12[%get3A_217] {strides = array<i32>} : memref<80xi32, #tpu.memory_space<vmem>>, vector<16xi32>,
        %get3A_219 = arith.constant 32 : index
        %get3A_220 = tpu.vector_load %arg14[%get3A_219] {strides = array<i32>} : memref<80xi32, #tpu.memory_space<vmem>>, vector<16xi32>,
        %gather3A_221 = tpu.vector_load_idx %arg19[%get3A_218] : memref<10000xf32, #tpu.memory_space<vmem>>[vector<16xi32>], vector<16xf32>,
        %gather3A_222 = tpu.vector_load_idx %arg19[%get3A_220] : memref<10000xf32, #tpu.memory_space<vmem>>[vector<16xi32>], vector<16xf32>,
        %sub3A_223 = arith.subf %gather3A_221, %gather3A_222 : vector<16xf32>
        %gather3A_224 = tpu.vector_load_idx %arg20[%get3A_218] : memref<10000xf32, #tpu.memory_space<vmem>>[vector<16xi32>], vector<16xf32>,
        %gather3A_225 = tpu.vector_load_idx %arg20[%get3A_220] : memref<10000xf32, #tpu.memory_space<vmem>>[vector<16xi32>], vector<16xf32>,
        %sub3A_226 = arith.subf %gather3A_224, %gather3A_225 : vector<16xf32>
        %mul3A_227 = arith.mulf %sub3A_223, %sub3A_223 : vector<16xf32>
        %mul3A_228 = arith.mulf %sub3A_226, %sub3A_226 : vector<16xf32>
        %add3A_229 = arith.addf %mul3A_227, %mul3A_228 : vector<16xf32>
        %swap3A_230 = arith.constant 32 : index
        %swap3A_231 = tpu.vector_load %arg18[%swap3A_230] {strides = array<i32>} : memref<80xf32, #tpu.memory_space<vmem>>, vector<16xf32>,
        tpu.vector_store %arg18[%swap3A_230], %add3A_229 {strides = array<i32>} : memref<80xf32, #tpu.memory_space<vmem>>, vector<16xf32>,
        %get3A_232 = arith.constant 48 : index
        %get3A_233 = tpu.vector_load %arg12[%get3A_232] {strides = array<i32>} : memref<80xi32, #tpu.memory_space<vmem>>, vector<16xi32>,
        %get3A_234 = arith.constant 48 : index
        %get3A_235 = tpu.vector_load %arg14[%get3A_234] {strides = array<i32>} : memref<80xi32, #tpu.memory_space<vmem>>, vector<16xi32>,
        %gather3A_236 = tpu.vector_load_idx %arg19[%get3A_233] : memref<10000xf32, #tpu.memory_space<vmem>>[vector<16xi32>], vector<16xf32>,
        %gather3A_237 = tpu.vector_load_idx %arg19[%get3A_235] : memref<10000xf32, #tpu.memory_space<vmem>>[vector<16xi32>], vector<16xf32>,
        %sub3A_238 = arith.subf %gather3A_236, %gather3A_237 : vector<16xf32>
        %gather3A_239 = tpu.vector_load_idx %arg20[%get3A_233] : memref<10000xf32, #tpu.memory_space<vmem>>[vector<16xi32>], vector<16xf32>,
        %gather3A_240 = tpu.vector_load_idx %arg20[%get3A_235] : memref<10000xf32, #tpu.memory_space<vmem>>[vector<16xi32>], vector<16xf32>,
        %sub3A_241 = arith.subf %gather3A_239, %gather3A_240 : vector<16xf32>
        %mul3A_242 = arith.mulf %sub3A_238, %sub3A_238 : vector<16xf32>
        %mul3A_243 = arith.mulf %sub3A_241, %sub3A_241 : vector<16xf32>
        %add3A_244 = arith.addf %mul3A_242, %mul3A_243 : vector<16xf32>
        %swap3A_245 = arith.constant 48 : index
        %swap3A_246 = tpu.vector_load %arg18[%swap3A_245] {strides = array<i32>} : memref<80xf32, #tpu.memory_space<vmem>>, vector<16xf32>,
        tpu.vector_store %arg18[%swap3A_245], %add3A_244 {strides = array<i32>} : memref<80xf32, #tpu.memory_space<vmem>>, vector<16xf32>,
        %get3A_247 = arith.constant 64 : index
        %get3A_248 = tpu.vector_load %arg12[%get3A_247] {strides = array<i32>} : memref<80xi32, #tpu.memory_space<vmem>>, vector<16xi32>,
        %get3A_249 = arith.constant 64 : index
        %get3A_250 = tpu.vector_load %arg14[%get3A_249] {strides = array<i32>} : memref<80xi32, #tpu.memory_space<vmem>>, vector<16xi32>,
        %gather3A_251 = tpu.vector_load_idx %arg19[%get3A_248] : memref<10000xf32, #tpu.memory_space<vmem>>[vector<16xi32>], vector<16xf32>,
        %gather3A_252 = tpu.vector_load_idx %arg19[%get3A_250] : memref<10000xf32, #tpu.memory_space<vmem>>[vector<16xi32>], vector<16xf32>,
        %sub3A_253 = arith.subf %gather3A_251, %gather3A_252 : vector<16xf32>
        %gather3A_254 = tpu.vector_load_idx %arg20[%get3A_248] : memref<10000xf32, #tpu.memory_space<vmem>>[vector<16xi32>], vector<16xf32>,
        %gather3A_255 = tpu.vector_load_idx %arg20[%get3A_250] : memref<10000xf32, #tpu.memory_space<vmem>>[vector<16xi32>], vector<16xf32>,
        %sub3A_256 = arith.subf %gather3A_254, %gather3A_255 : vector<16xf32>
        %mul3A_257 = arith.mulf %sub3A_253, %sub3A_253 : vector<16xf32>
        %mul3A_258 = arith.mulf %sub3A_256, %sub3A_256 : vector<16xf32>
        %add3A_259 = arith.addf %mul3A_257, %mul3A_258 : vector<16xf32>
        %swap3A_260 = arith.constant 64 : index
        %swap3A_261 = tpu.vector_load %arg18[%swap3A_260] {strides = array<i32>} : memref<80xf32, #tpu.memory_space<vmem>>, vector<16xf32>,
        tpu.vector_store %arg18[%swap3A_260], %add3A_259 {strides = array<i32>} : memref<80xf32, #tpu.memory_space<vmem>>, vector<16xf32>,
        %dma_wait3A_262 = arith.constant 0 : i32
        %dma_wait3A_263 = arith.constant 0 : i32
        %dma_wait3A_264 = tpu.memref_slice %arg21[%dma_wait3A_262, %dma_wait3A_263] : memref<10240x128xf32, #tpu.memory_space<vmem_shared>> -> memref<10240x128xf32, #tpu.memory_space<vmem_shared>>
        tpu.wait_indirect_dma semaphore(%arg23 : memref<!tpu.dma_semaphore, #tpu.memory_space<semaphore_mem>>) src(%dma_wait3A_264 : memref<10240x128xf32, #tpu.memory_space<vmem_shared>>) dst(%arg16 : memref<80x128xf32, #tpu.memory_space<vmem>>)
        %dma_start3A_265 = arith.constant 0 : i32
        %dma_start3A_266 = tpu.memref_slice %arg8[%add3A_163, %dma_start3A_265] : memref<320000x128xf32, #tpu.memory_space<hbm>> -> memref<80x128xf32, #tpu.memory_space<hbm>>
        %dma_start3A_267 = arith.constant 0 : i32
        %dma_start3A_268 = tpu.memref_slice %arg8[%add3A_163, %dma_start3A_267] : memref<320000x128xf32, #tpu.memory_space<hbm>> -> memref<80x128xf32, #tpu.memory_space<hbm>>
        tpu.enqueue_dma source(%arg16 : memref<80x128xf32, #tpu.memory_space<vmem>>) target(%dma_start3A_268 : memref<80x128xf32, #tpu.memory_space<hbm>>) target_semaphore(%arg24 : memref<!tpu.dma_semaphore, #tpu.memory_space<semaphore_mem>>)
        %dma_start3A_269 = tpu.memref_slice %arg10[%add3A_163] : memref<320000xf32, #tpu.memory_space<hbm>> -> memref<80xf32, #tpu.memory_space<hbm>>
        %dma_start3A_270 = tpu.memref_slice %arg10[%add3A_163] : memref<320000xf32, #tpu.memory_space<hbm>> -> memref<80xf32, #tpu.memory_space<hbm>>
        tpu.enqueue_dma source(%arg18 : memref<80xf32, #tpu.memory_space<vmem>>) target(%dma_start3A_270 : memref<80xf32, #tpu.memory_space<hbm>>) target_semaphore(%arg25 : memref<!tpu.dma_semaphore, #tpu.memory_space<semaphore_mem>>)
      }
      %scan3A_30 = arith.constant 125 : i32
      %dma_wait3A = arith.constant 0 : i32
      %dma_wait3A_31 = arith.constant 0 : i32
      %dma_wait3A_32 = tpu.memref_slice %arg8[%dma_wait3A, %dma_wait3A_31] : memref<320000x128xf32, #tpu.memory_space<hbm>> -> memref<80x128xf32, #tpu.memory_space<hbm>>
      %dma_wait3A_33 = arith.constant 0 : i32
      %dma_wait3A_34 = arith.constant 0 : i32
      %dma_wait3A_35 = tpu.memref_slice %arg8[%dma_wait3A_33, %dma_wait3A_34] : memref<320000x128xf32, #tpu.memory_space<hbm>> -> memref<80x128xf32, #tpu.memory_space<hbm>>
      tpu.wait_dma2 semaphore(%arg24 : memref<!tpu.dma_semaphore, #tpu.memory_space<semaphore_mem>>) src(%arg15 : memref<80x128xf32, #tpu.memory_space<vmem>>) dst(%dma_wait3A_35 : memref<80x128xf32, #tpu.memory_space<hbm>>)
      %dma_wait3A_36 = arith.constant 0 : i32
      %dma_wait3A_37 = tpu.memref_slice %arg10[%dma_wait3A_36] : memref<320000xf32, #tpu.memory_space<hbm>> -> memref<80xf32, #tpu.memory_space<hbm>>
      %dma_wait3A_38 = arith.constant 0 : i32
      %dma_wait3A_39 = tpu.memref_slice %arg10[%dma_wait3A_38] : memref<320000xf32, #tpu.memory_space<hbm>> -> memref<80xf32, #tpu.memory_space<hbm>>
      tpu.wait_dma2 semaphore(%arg25 : memref<!tpu.dma_semaphore, #tpu.memory_space<semaphore_mem>>) src(%arg17 : memref<80xf32, #tpu.memory_space<vmem>>) dst(%dma_wait3A_39 : memref<80xf32, #tpu.memory_space<hbm>>)
      %dma_wait3A_40 = arith.constant 0 : i32
      %dma_wait3A_41 = arith.constant 0 : i32
      %dma_wait3A_42 = tpu.memref_slice %arg8[%dma_wait3A_40, %dma_wait3A_41] : memref<320000x128xf32, #tpu.memory_space<hbm>> -> memref<80x128xf32, #tpu.memory_space<hbm>>
      %dma_wait3A_43 = arith.constant 0 : i32
      %dma_wait3A_44 = arith.constant 0 : i32
      %dma_wait3A_45 = tpu.memref_slice %arg8[%dma_wait3A_43, %dma_wait3A_44] : memref<320000x128xf32, #tpu.memory_space<hbm>> -> memref<80x128xf32, #tpu.memory_space<hbm>>
      tpu.wait_dma2 semaphore(%arg24 : memref<!tpu.dma_semaphore, #tpu.memory_space<semaphore_mem>>) src(%arg16 : memref<80x128xf32, #tpu.memory_space<vmem>>) dst(%dma_wait3A_45 : memref<80x128xf32, #tpu.memory_space<hbm>>)
      %dma_wait3A_46 = arith.constant 0 : i32
      %dma_wait3A_47 = tpu.memref_slice %arg10[%dma_wait3A_46] : memref<320000xf32, #tpu.memory_space<hbm>> -> memref<80xf32, #tpu.memory_space<hbm>>
      %dma_wait3A_48 = arith.constant 0 : i32
      %dma_wait3A_49 = tpu.memref_slice %arg10[%dma_wait3A_48] : memref<320000xf32, #tpu.memory_space<hbm>> -> memref<80xf32, #tpu.memory_space<hbm>>
      tpu.wait_dma2 semaphore(%arg25 : memref<!tpu.dma_semaphore, #tpu.memory_space<semaphore_mem>>) src(%arg18 : memref<80xf32, #tpu.memory_space<vmem>>) dst(%dma_wait3A_49 : memref<80xf32, #tpu.memory_space<hbm>>)
    } else {
    }
    %eq3A_15 = arith.constant 1 : i32
    %eq3A_16 = arith.cmpi eq, %arg0, %eq3A_15 : i32
    %convert_element_type3A_17 = arith.extui %eq3A_16 : i1 to i32
    %cond3A_18 = arith.constant 0 : i32
    %cond3A_19 = arith.cmpi ne, %convert_element_type3A_17, %cond3A_18 : i32
    scf.if %cond3A_19 {
      %add3A = arith.constant 0 : i32
      %add3A_20 = arith.addi %mul3A_9, %add3A : i32
      %dma_start3A = tpu.memref_slice %arg5[%add3A_20] : memref<320000xi32, #tpu.memory_space<hbm>> -> memref<80xi32, #tpu.memory_space<hbm>>
      %dma_start3A_21 = tpu.memref_slice %arg5[%add3A_20] : memref<320000xi32, #tpu.memory_space<hbm>> -> memref<80xi32, #tpu.memory_space<hbm>>
      tpu.enqueue_dma source(%dma_start3A_21 : memref<80xi32, #tpu.memory_space<hbm>>) target(%arg13 : memref<80xi32, #tpu.memory_space<vmem>>) target_semaphore(%arg22 : memref<!tpu.dma_semaphore, #tpu.memory_space<semaphore_mem>>)
      %scan3A = arith.constant 0 : i32
      %scan3A_22 = arith.constant 0 : i32
      %scan3A_23 = arith.constant 125 : i32
      %scan3A_24 = arith.addi %scan3A_22, %scan3A_23 : i32
      %scan3A_25 = arith.constant 1 : i32
      scf.for %scan3A_38 = %scan3A_22 to %scan3A_24 step %scan3A_25  : i32 {
        %mul3A_39 = arith.constant 2 : i32
        %mul3A_40 = arith.muli %mul3A_39, %scan3A_38 : i32
        %mul3A_41 = arith.constant 80 : i32
        %mul3A_42 = arith.muli %mul3A_40, %mul3A_41 : i32
        %add3A_43 = arith.addi %mul3A_9, %mul3A_42 : i32
        %dma_wait3A_44 = arith.constant 0 : i32
        %dma_wait3A_45 = tpu.memref_slice %arg5[%dma_wait3A_44] : memref<320000xi32, #tpu.memory_space<hbm>> -> memref<80xi32, #tpu.memory_space<hbm>>
        %dma_wait3A_46 = arith.constant 0 : i32
        %dma_wait3A_47 = tpu.memref_slice %arg5[%dma_wait3A_46] : memref<320000xi32, #tpu.memory_space<hbm>> -> memref<80xi32, #tpu.memory_space<hbm>>
        tpu.wait_dma2 semaphore(%arg22 : memref<!tpu.dma_semaphore, #tpu.memory_space<semaphore_mem>>) src(%dma_wait3A_47 : memref<80xi32, #tpu.memory_space<hbm>>) dst(%arg13 : memref<80xi32, #tpu.memory_space<vmem>>)
        %add3A_48 = arith.constant 1 : i32
        %add3A_49 = arith.addi %mul3A_40, %add3A_48 : i32
        %lt3A = arith.constant 250 : i32
        %lt3A_50 = arith.cmpi slt, %add3A_49, %lt3A : i32
        %convert_element_type3A_51 = arith.extui %lt3A_50 : i1 to i32
        %cond3A_52 = arith.constant 0 : i32
        %cond3A_53 = arith.cmpi ne, %convert_element_type3A_51, %cond3A_52 : i32
        scf.if %cond3A_53 {
          %add3A_101 = arith.constant 1 : i32
          %add3A_102 = arith.addi %mul3A_40, %add3A_101 : i32
          %mul3A_103 = arith.constant 80 : i32
          %mul3A_104 = arith.muli %add3A_102, %mul3A_103 : i32
          %add3A_105 = arith.addi %mul3A_9, %mul3A_104 : i32
          %dma_start3A_106 = tpu.memref_slice %arg5[%add3A_105] : memref<320000xi32, #tpu.memory_space<hbm>> -> memref<80xi32, #tpu.memory_space<hbm>>
          %dma_start3A_107 = tpu.memref_slice %arg5[%add3A_105] : memref<320000xi32, #tpu.memory_space<hbm>> -> memref<80xi32, #tpu.memory_space<hbm>>
          tpu.enqueue_dma source(%dma_start3A_107 : memref<80xi32, #tpu.memory_space<hbm>>) target(%arg14 : memref<80xi32, #tpu.memory_space<vmem>>) target_semaphore(%arg22 : memref<!tpu.dma_semaphore, #tpu.memory_space<semaphore_mem>>)
        } else {
        }
        %ge3A = arith.constant 1 : i32
        %ge3A_54 = arith.cmpi sge, %scan3A_38, %ge3A : i32
        %convert_element_type3A_55 = arith.extui %ge3A_54 : i1 to i32
        %cond3A_56 = arith.constant 0 : i32
        %cond3A_57 = arith.cmpi ne, %convert_element_type3A_55, %cond3A_56 : i32
        scf.if %cond3A_57 {
          %dma_wait3A_101 = arith.constant 0 : i32
          %dma_wait3A_102 = tpu.memref_slice %arg9[%add3A_43, %dma_wait3A_101] : memref<320000x128xf32, #tpu.memory_space<hbm>> -> memref<80x128xf32, #tpu.memory_space<hbm>>
          %dma_wait3A_103 = arith.constant 0 : i32
          %dma_wait3A_104 = tpu.memref_slice %arg9[%add3A_43, %dma_wait3A_103] : memref<320000x128xf32, #tpu.memory_space<hbm>> -> memref<80x128xf32, #tpu.memory_space<hbm>>
          tpu.wait_dma2 semaphore(%arg24 : memref<!tpu.dma_semaphore, #tpu.memory_space<semaphore_mem>>) src(%arg15 : memref<80x128xf32, #tpu.memory_space<vmem>>) dst(%dma_wait3A_104 : memref<80x128xf32, #tpu.memory_space<hbm>>)
        } else {
        }
        %dma_start3A_58 = arith.constant 0 : i32
        %dma_start3A_59 = arith.constant 0 : i32
        %dma_start3A_60 = tpu.memref_slice %arg21[%dma_start3A_58, %dma_start3A_59] : memref<10240x128xf32, #tpu.memory_space<vmem_shared>> -> memref<10240x128xf32, #tpu.memory_space<vmem_shared>>
        tpu.enqueue_indirect_dma source(%dma_start3A_60 : memref<10240x128xf32, #tpu.memory_space<vmem_shared>>) target(%arg15 : memref<80x128xf32, #tpu.memory_space<vmem>>) offsets(%arg13 : memref<80xi32, #tpu.memory_space<vmem>>) semaphore(%arg23 : memref<!tpu.dma_semaphore, #tpu.memory_space<semaphore_mem>>)
        %dma_wait3A_61 = arith.constant 0 : i32
        %dma_wait3A_62 = arith.constant 0 : i32
        %dma_wait3A_63 = tpu.memref_slice %arg21[%dma_wait3A_61, %dma_wait3A_62] : memref<10240x128xf32, #tpu.memory_space<vmem_shared>> -> memref<10240x128xf32, #tpu.memory_space<vmem_shared>>
        tpu.wait_indirect_dma semaphore(%arg23 : memref<!tpu.dma_semaphore, #tpu.memory_space<semaphore_mem>>) src(%dma_wait3A_63 : memref<10240x128xf32, #tpu.memory_space<vmem_shared>>) dst(%arg15 : memref<80x128xf32, #tpu.memory_space<vmem>>)
        %dma_start3A_64 = arith.constant 0 : i32
        %dma_start3A_65 = tpu.memref_slice %arg9[%add3A_43, %dma_start3A_64] : memref<320000x128xf32, #tpu.memory_space<hbm>> -> memref<80x128xf32, #tpu.memory_space<hbm>>
        %dma_start3A_66 = arith.constant 0 : i32
        %dma_start3A_67 = tpu.memref_slice %arg9[%add3A_43, %dma_start3A_66] : memref<320000x128xf32, #tpu.memory_space<hbm>> -> memref<80x128xf32, #tpu.memory_space<hbm>>
        tpu.enqueue_dma source(%arg15 : memref<80x128xf32, #tpu.memory_space<vmem>>) target(%dma_start3A_67 : memref<80x128xf32, #tpu.memory_space<hbm>>) target_semaphore(%arg24 : memref<!tpu.dma_semaphore, #tpu.memory_space<semaphore_mem>>)
        %mul3A_68 = arith.constant 2 : i32
        %mul3A_69 = arith.muli %mul3A_68, %scan3A_38 : i32
        %add3A_70 = arith.constant 1 : i32
        %add3A_71 = arith.addi %mul3A_69, %add3A_70 : i32
        %mul3A_72 = arith.constant 80 : i32
        %mul3A_73 = arith.muli %add3A_71, %mul3A_72 : i32
        %add3A_74 = arith.addi %mul3A_9, %mul3A_73 : i32
        %dma_wait3A_75 = arith.constant 0 : i32
        %dma_wait3A_76 = tpu.memref_slice %arg5[%dma_wait3A_75] : memref<320000xi32, #tpu.memory_space<hbm>> -> memref<80xi32, #tpu.memory_space<hbm>>
        %dma_wait3A_77 = arith.constant 0 : i32
        %dma_wait3A_78 = tpu.memref_slice %arg5[%dma_wait3A_77] : memref<320000xi32, #tpu.memory_space<hbm>> -> memref<80xi32, #tpu.memory_space<hbm>>
        tpu.wait_dma2 semaphore(%arg22 : memref<!tpu.dma_semaphore, #tpu.memory_space<semaphore_mem>>) src(%dma_wait3A_78 : memref<80xi32, #tpu.memory_space<hbm>>) dst(%arg14 : memref<80xi32, #tpu.memory_space<vmem>>)
        %add3A_79 = arith.constant 1 : i32
        %add3A_80 = arith.addi %add3A_71, %add3A_79 : i32
        %lt3A_81 = arith.constant 250 : i32
        %lt3A_82 = arith.cmpi slt, %add3A_80, %lt3A_81 : i32
        %convert_element_type3A_83 = arith.extui %lt3A_82 : i1 to i32
        %cond3A_84 = arith.constant 0 : i32
        %cond3A_85 = arith.cmpi ne, %convert_element_type3A_83, %cond3A_84 : i32
        scf.if %cond3A_85 {
          %add3A_101 = arith.constant 1 : i32
          %add3A_102 = arith.addi %add3A_71, %add3A_101 : i32
          %mul3A_103 = arith.constant 80 : i32
          %mul3A_104 = arith.muli %add3A_102, %mul3A_103 : i32
          %add3A_105 = arith.addi %mul3A_9, %mul3A_104 : i32
          %dma_start3A_106 = tpu.memref_slice %arg5[%add3A_105] : memref<320000xi32, #tpu.memory_space<hbm>> -> memref<80xi32, #tpu.memory_space<hbm>>
          %dma_start3A_107 = tpu.memref_slice %arg5[%add3A_105] : memref<320000xi32, #tpu.memory_space<hbm>> -> memref<80xi32, #tpu.memory_space<hbm>>
          tpu.enqueue_dma source(%dma_start3A_107 : memref<80xi32, #tpu.memory_space<hbm>>) target(%arg13 : memref<80xi32, #tpu.memory_space<vmem>>) target_semaphore(%arg22 : memref<!tpu.dma_semaphore, #tpu.memory_space<semaphore_mem>>)
        } else {
        }
        %ge3A_86 = arith.constant 1 : i32
        %ge3A_87 = arith.cmpi sge, %scan3A_38, %ge3A_86 : i32
        %convert_element_type3A_88 = arith.extui %ge3A_87 : i1 to i32
        %cond3A_89 = arith.constant 0 : i32
        %cond3A_90 = arith.cmpi ne, %convert_element_type3A_88, %cond3A_89 : i32
        scf.if %cond3A_90 {
          %dma_wait3A_101 = arith.constant 0 : i32
          %dma_wait3A_102 = tpu.memref_slice %arg9[%add3A_74, %dma_wait3A_101] : memref<320000x128xf32, #tpu.memory_space<hbm>> -> memref<80x128xf32, #tpu.memory_space<hbm>>
          %dma_wait3A_103 = arith.constant 0 : i32
          %dma_wait3A_104 = tpu.memref_slice %arg9[%add3A_74, %dma_wait3A_103] : memref<320000x128xf32, #tpu.memory_space<hbm>> -> memref<80x128xf32, #tpu.memory_space<hbm>>
          tpu.wait_dma2 semaphore(%arg24 : memref<!tpu.dma_semaphore, #tpu.memory_space<semaphore_mem>>) src(%arg16 : memref<80x128xf32, #tpu.memory_space<vmem>>) dst(%dma_wait3A_104 : memref<80x128xf32, #tpu.memory_space<hbm>>)
        } else {
        }
        %dma_start3A_91 = arith.constant 0 : i32
        %dma_start3A_92 = arith.constant 0 : i32
        %dma_start3A_93 = tpu.memref_slice %arg21[%dma_start3A_91, %dma_start3A_92] : memref<10240x128xf32, #tpu.memory_space<vmem_shared>> -> memref<10240x128xf32, #tpu.memory_space<vmem_shared>>
        tpu.enqueue_indirect_dma source(%dma_start3A_93 : memref<10240x128xf32, #tpu.memory_space<vmem_shared>>) target(%arg16 : memref<80x128xf32, #tpu.memory_space<vmem>>) offsets(%arg14 : memref<80xi32, #tpu.memory_space<vmem>>) semaphore(%arg23 : memref<!tpu.dma_semaphore, #tpu.memory_space<semaphore_mem>>)
        %dma_wait3A_94 = arith.constant 0 : i32
        %dma_wait3A_95 = arith.constant 0 : i32
        %dma_wait3A_96 = tpu.memref_slice %arg21[%dma_wait3A_94, %dma_wait3A_95] : memref<10240x128xf32, #tpu.memory_space<vmem_shared>> -> memref<10240x128xf32, #tpu.memory_space<vmem_shared>>
        tpu.wait_indirect_dma semaphore(%arg23 : memref<!tpu.dma_semaphore, #tpu.memory_space<semaphore_mem>>) src(%dma_wait3A_96 : memref<10240x128xf32, #tpu.memory_space<vmem_shared>>) dst(%arg16 : memref<80x128xf32, #tpu.memory_space<vmem>>)
        %dma_start3A_97 = arith.constant 0 : i32
        %dma_start3A_98 = tpu.memref_slice %arg9[%add3A_74, %dma_start3A_97] : memref<320000x128xf32, #tpu.memory_space<hbm>> -> memref<80x128xf32, #tpu.memory_space<hbm>>
        %dma_start3A_99 = arith.constant 0 : i32
        %dma_start3A_100 = tpu.memref_slice %arg9[%add3A_74, %dma_start3A_99] : memref<320000x128xf32, #tpu.memory_space<hbm>> -> memref<80x128xf32, #tpu.memory_space<hbm>>
        tpu.enqueue_dma source(%arg16 : memref<80x128xf32, #tpu.memory_space<vmem>>) target(%dma_start3A_100 : memref<80x128xf32, #tpu.memory_space<hbm>>) target_semaphore(%arg24 : memref<!tpu.dma_semaphore, #tpu.memory_space<semaphore_mem>>)
      }
      %scan3A_26 = arith.constant 125 : i32
      %dma_wait3A = arith.constant 0 : i32
      %dma_wait3A_27 = arith.constant 0 : i32
      %dma_wait3A_28 = tpu.memref_slice %arg9[%dma_wait3A, %dma_wait3A_27] : memref<320000x128xf32, #tpu.memory_space<hbm>> -> memref<80x128xf32, #tpu.memory_space<hbm>>
      %dma_wait3A_29 = arith.constant 0 : i32
      %dma_wait3A_30 = arith.constant 0 : i32
      %dma_wait3A_31 = tpu.memref_slice %arg9[%dma_wait3A_29, %dma_wait3A_30] : memref<320000x128xf32, #tpu.memory_space<hbm>> -> memref<80x128xf32, #tpu.memory_space<hbm>>
      tpu.wait_dma2 semaphore(%arg24 : memref<!tpu.dma_semaphore, #tpu.memory_space<semaphore_mem>>) src(%arg15 : memref<80x128xf32, #tpu.memory_space<vmem>>) dst(%dma_wait3A_31 : memref<80x128xf32, #tpu.memory_space<hbm>>)
      %dma_wait3A_32 = arith.constant 0 : i32
      %dma_wait3A_33 = arith.constant 0 : i32
      %dma_wait3A_34 = tpu.memref_slice %arg9[%dma_wait3A_32, %dma_wait3A_33] : memref<320000x128xf32, #tpu.memory_space<hbm>> -> memref<80x128xf32, #tpu.memory_space<hbm>>
      %dma_wait3A_35 = arith.constant 0 : i32
      %dma_wait3A_36 = arith.constant 0 : i32
      %dma_wait3A_37 = tpu.memref_slice %arg9[%dma_wait3A_35, %dma_wait3A_36] : memref<320000x128xf32, #tpu.memory_space<hbm>> -> memref<80x128xf32, #tpu.memory_space<hbm>>
      tpu.wait_dma2 semaphore(%arg24 : memref<!tpu.dma_semaphore, #tpu.memory_space<semaphore_mem>>) src(%arg16 : memref<80x128xf32, #tpu.memory_space<vmem>>) dst(%dma_wait3A_37 : memref<80x128xf32, #tpu.memory_space<hbm>>)
    } else {
    }
    return
  }
}

module attributes {stable_mosaic.version = 14 : i64} {
  func.func @_tables_body(%arg0: i32, %arg1: memref<1000x128xf32, #tpu.memory_space<vmem>>, %arg2: memref<128x128xf32, #tpu.memory_space<vmem>>, %arg3: memref<128x128xf32, #tpu.memory_space<vmem>>, %arg4: memref<1000x128xf32, #tpu.memory_space<vmem>>, %arg5: memref<1000x128xf32, #tpu.memory_space<vmem>>) attributes {dimension_semantics = [#tpu.dimension_semantics<arbitrary>], iteration_bounds = array<i64: 10>, scalar_prefetch = 0 : i64, scratch_operands = 0 : i64, tpu.core_type = #tpu.core_type<tc>, window_params = [{transform_indices = @transform_0, window_bounds = array<i64: 1000, 128>}, {pipeline_mode = #tpu.pipeline_mode<synchronous>, transform_indices = @transform_1, window_bounds = array<i64: 128, 128>}, {pipeline_mode = #tpu.pipeline_mode<synchronous>, transform_indices = @transform_2, window_bounds = array<i64: 128, 128>}, {transform_indices = @transform_3, window_bounds = array<i64: 1000, 128>}, {transform_indices = @transform_4, window_bounds = array<i64: 1000, 128>}]} {
    %get3A = arith.constant 0 : index
    %get3A_0 = arith.constant 0 : index
    %get3A_1 = vector.load %arg1[%get3A, %get3A_0] : memref<1000x128xf32, #tpu.memory_space<vmem>>, vector<1000x128xf32>
    %get3A_2 = arith.constant 0 : index
    %get3A_3 = arith.constant 0 : index
    %get3A_4 = vector.load %arg2[%get3A_2, %get3A_3] : memref<128x128xf32, #tpu.memory_space<vmem>>, vector<128x128xf32>
    %dot_general3A = arith.constant dense<0.000000e+00> : vector<1000x128xf32>
    %dot_general3A_5 = tpu.matmul %get3A_1, %get3A_4, %dot_general3A {dimension_numbers = #tpu.dot_dimension_numbers<[1], [0], [0], [1], [0, 0, 1, 1], [], []>, transpose_lhs_hint = false} : vector<1000x128xf32>, vector<128x128xf32>, vector<1000x128xf32> -> vector<1000x128xf32>
    %swap3A = arith.constant 0 : index
    %swap3A_6 = arith.constant 0 : index
    %swap3A_7 = vector.load %arg4[%swap3A, %swap3A_6] : memref<1000x128xf32, #tpu.memory_space<vmem>>, vector<1000x128xf32>
    tpu.vector_store %arg4[%swap3A, %swap3A_6], %dot_general3A_5 {strides = array<i32>} : memref<1000x128xf32, #tpu.memory_space<vmem>>, vector<1000x128xf32>,
    %get3A_8 = arith.constant 0 : index
    %get3A_9 = arith.constant 0 : index
    %get3A_10 = vector.load %arg3[%get3A_8, %get3A_9] : memref<128x128xf32, #tpu.memory_space<vmem>>, vector<128x128xf32>
    %dot_general3A_11 = arith.constant dense<0.000000e+00> : vector<1000x128xf32>
    %dot_general3A_12 = tpu.matmul %get3A_1, %get3A_10, %dot_general3A_11 {dimension_numbers = #tpu.dot_dimension_numbers<[1], [0], [0], [1], [0, 0, 1, 1], [], []>, transpose_lhs_hint = false} : vector<1000x128xf32>, vector<128x128xf32>, vector<1000x128xf32> -> vector<1000x128xf32>
    %swap3A_13 = arith.constant 0 : index
    %swap3A_14 = arith.constant 0 : index
    %swap3A_15 = vector.load %arg5[%swap3A_13, %swap3A_14] : memref<1000x128xf32, #tpu.memory_space<vmem>>, vector<1000x128xf32>
    tpu.vector_store %arg5[%swap3A_13, %swap3A_14], %dot_general3A_12 {strides = array<i32>} : memref<1000x128xf32, #tpu.memory_space<vmem>>, vector<1000x128xf32>,
    return
  }
  func.func @transform_0(%arg0: i32) -> (i32, i32) {
    %c0_i32 = arith.constant 0 : i32
    %c0_i32_0 = arith.constant 0 : i32
    return %arg0, %c0_i32 : i32, i32
  }
  func.func @transform_1(%arg0: i32) -> (i32, i32) {
    %c0_i32 = arith.constant 0 : i32
    %c0_i32_0 = arith.constant 0 : i32
    %c0_i32_1 = arith.constant 0 : i32
    return %c0_i32, %c0_i32_0 : i32, i32
  }
  func.func @transform_2(%arg0: i32) -> (i32, i32) {
    %c0_i32 = arith.constant 0 : i32
    %c0_i32_0 = arith.constant 0 : i32
    %c0_i32_1 = arith.constant 0 : i32
    return %c0_i32, %c0_i32_0 : i32, i32
  }
  func.func @transform_3(%arg0: i32) -> (i32, i32) {
    %c0_i32 = arith.constant 0 : i32
    %c0_i32_0 = arith.constant 0 : i32
    return %arg0, %c0_i32 : i32, i32
  }
  func.func @transform_4(%arg0: i32) -> (i32, i32) {
    %c0_i32 = arith.constant 0 : i32
    %c0_i32_0 = arith.constant 0 : i32
    return %arg0, %c0_i32 : i32, i32
  }
}

module attributes {stable_mosaic.version = 14 : i64} {
  func.func @_edge_body(%arg0: i32, %arg1: memref<2560x128xf32, #tpu.memory_space<vmem>>, %arg2: memref<2560x128xf32, #tpu.memory_space<vmem>>, %arg3: memref<320x8xf32, #tpu.memory_space<vmem>>, %arg4: memref<16x128xf32, #tpu.memory_space<vmem>>, %arg5: memref<1x128xf32, #tpu.memory_space<vmem>>, %arg6: memref<128x128xf32, #tpu.memory_space<vmem>>, %arg7: memref<1x128xf32, #tpu.memory_space<vmem>>, %arg8: memref<1x16xf32, #tpu.memory_space<vmem>>, %arg9: memref<1x16xf32, #tpu.memory_space<vmem>>, %arg10: memref<2560x128xf32, #tpu.memory_space<vmem>>) attributes {dimension_semantics = [#tpu.dimension_semantics<arbitrary>], iteration_bounds = array<i64: 125>, scalar_prefetch = 0 : i64, scratch_operands = 0 : i64, tpu.core_type = #tpu.core_type<tc>, window_params = [{transform_indices = @transform_0, window_bounds = array<i64: 2560, 128>}, {transform_indices = @transform_1, window_bounds = array<i64: 2560, 128>}, {transform_indices = @transform_2, window_bounds = array<i64: 320, 8>}, {pipeline_mode = #tpu.pipeline_mode<synchronous>, transform_indices = @transform_3, window_bounds = array<i64: 16, 128>}, {pipeline_mode = #tpu.pipeline_mode<synchronous>, transform_indices = @transform_4, window_bounds = array<i64: 1, 128>}, {pipeline_mode = #tpu.pipeline_mode<synchronous>, transform_indices = @transform_5, window_bounds = array<i64: 128, 128>}, {pipeline_mode = #tpu.pipeline_mode<synchronous>, transform_indices = @transform_6, window_bounds = array<i64: 1, 128>}, {pipeline_mode = #tpu.pipeline_mode<synchronous>, transform_indices = @transform_7, window_bounds = array<i64: 1, 16>}, {pipeline_mode = #tpu.pipeline_mode<synchronous>, transform_indices = @transform_8, window_bounds = array<i64: 1, 16>}, {transform_indices = @transform_9, window_bounds = array<i64: 2560, 128>}]} {
    %get3A = arith.constant 0 : index
    %get3A_0 = arith.constant 0 : index
    %get3A_1 = vector.load %arg1[%get3A, %get3A_0] : memref<2560x128xf32, #tpu.memory_space<vmem>>, vector<2560x128xf32>
    %get3A_2 = arith.constant 0 : index
    %get3A_3 = arith.constant 0 : index
    %get3A_4 = vector.load %arg2[%get3A_2, %get3A_3] : memref<2560x128xf32, #tpu.memory_space<vmem>>, vector<2560x128xf32>
    %add3A = arith.addf %get3A_1, %get3A_4 : vector<2560x128xf32>
    %get3A_5 = arith.constant 0 : index
    %get3A_6 = arith.constant 0 : index
    %get3A_7 = vector.load %arg3[%get3A_5, %get3A_6] : memref<320x8xf32, #tpu.memory_space<vmem>>, vector<320x8xf32>
    %add3A_8 = arith.constant 9.99999993E-9 : f32
    %add3A_9 = vector.broadcast %add3A_8 : f32 to vector<320x8xf32>
    %add3A_10 = arith.addf %get3A_7, %add3A_9 : vector<320x8xf32>
    %sqrt3A = math.sqrt %add3A_10 : vector<320x8xf32>
    %slice3A = vector.extract_strided_slice %sqrt3A {offsets = [0, 0], sizes = [320, 1], strides = [1, 1]} : vector<320x8xf32> to vector<320x1xf32>
    %get3A_11 = arith.constant 0 : index
    %get3A_12 = arith.constant 0 : index
    %get3A_13 = vector.load %arg8[%get3A_11, %get3A_12] : memref<1x16xf32, #tpu.memory_space<vmem>>, vector<1x16xf32>
    %sub3A = vector.broadcast %slice3A : vector<320x1xf32> to vector<320x16xf32>
    %sub3A_14 = vector.broadcast %get3A_13 : vector<1x16xf32> to vector<320x16xf32>
    %sub3A_15 = arith.subf %sub3A, %sub3A_14 : vector<320x16xf32>
    %get3A_16 = arith.constant 0 : index
    %get3A_17 = arith.constant 0 : index
    %get3A_18 = vector.load %arg9[%get3A_16, %get3A_17] : memref<1x16xf32, #tpu.memory_space<vmem>>, vector<1x16xf32>
    %neg3A = arith.constant 0.000000e+00 : f32
    %neg3A_19 = vector.broadcast %neg3A : f32 to vector<1x16xf32>
    %neg3A_20 = arith.subf %neg3A_19, %get3A_18 : vector<1x16xf32>
    %mul3A = vector.broadcast %neg3A_20 : vector<1x16xf32> to vector<320x16xf32>
    %mul3A_21 = arith.mulf %mul3A, %sub3A_15 : vector<320x16xf32>
    %mul3A_22 = arith.mulf %mul3A_21, %sub3A_15 : vector<320x16xf32>
    %exp3A = math.exp %mul3A_22 : vector<320x16xf32>
    %get3A_23 = arith.constant 0 : index
    %get3A_24 = arith.constant 0 : index
    %get3A_25 = vector.load %arg4[%get3A_23, %get3A_24] : memref<16x128xf32, #tpu.memory_space<vmem>>, vector<16x128xf32>
    %dot_general3A = arith.constant dense<0.000000e+00> : vector<320x128xf32>
    %dot_general3A_26 = tpu.matmul %exp3A, %get3A_25, %dot_general3A {dimension_numbers = #tpu.dot_dimension_numbers<[1], [0], [0], [1], [0, 0, 1, 1], [], []>, transpose_lhs_hint = false} : vector<320x16xf32>, vector<16x128xf32>, vector<320x128xf32> -> vector<320x128xf32>
    %slice3A_27 = vector.extract_strided_slice %sqrt3A {offsets = [0, 1], sizes = [320, 1], strides = [1, 1]} : vector<320x8xf32> to vector<320x1xf32>
    %get3A_28 = arith.constant 0 : index
    %get3A_29 = arith.constant 0 : index
    %get3A_30 = vector.load %arg8[%get3A_28, %get3A_29] : memref<1x16xf32, #tpu.memory_space<vmem>>, vector<1x16xf32>
    %sub3A_31 = vector.broadcast %slice3A_27 : vector<320x1xf32> to vector<320x16xf32>
    %sub3A_32 = vector.broadcast %get3A_30 : vector<1x16xf32> to vector<320x16xf32>
    %sub3A_33 = arith.subf %sub3A_31, %sub3A_32 : vector<320x16xf32>
    %get3A_34 = arith.constant 0 : index
    %get3A_35 = arith.constant 0 : index
    %get3A_36 = vector.load %arg9[%get3A_34, %get3A_35] : memref<1x16xf32, #tpu.memory_space<vmem>>, vector<1x16xf32>
    %neg3A_37 = arith.constant 0.000000e+00 : f32
    %neg3A_38 = vector.broadcast %neg3A_37 : f32 to vector<1x16xf32>
    %neg3A_39 = arith.subf %neg3A_38, %get3A_36 : vector<1x16xf32>
    %mul3A_40 = vector.broadcast %neg3A_39 : vector<1x16xf32> to vector<320x16xf32>
    %mul3A_41 = arith.mulf %mul3A_40, %sub3A_33 : vector<320x16xf32>
    %mul3A_42 = arith.mulf %mul3A_41, %sub3A_33 : vector<320x16xf32>
    %exp3A_43 = math.exp %mul3A_42 : vector<320x16xf32>
    %get3A_44 = arith.constant 0 : index
    %get3A_45 = arith.constant 0 : index
    %get3A_46 = vector.load %arg4[%get3A_44, %get3A_45] : memref<16x128xf32, #tpu.memory_space<vmem>>, vector<16x128xf32>
    %dot_general3A_47 = arith.constant dense<0.000000e+00> : vector<320x128xf32>
    %dot_general3A_48 = tpu.matmul %exp3A_43, %get3A_46, %dot_general3A_47 {dimension_numbers = #tpu.dot_dimension_numbers<[1], [0], [0], [1], [0, 0, 1, 1], [], []>, transpose_lhs_hint = false} : vector<320x16xf32>, vector<16x128xf32>, vector<320x128xf32> -> vector<320x128xf32>
    %slice3A_49 = vector.extract_strided_slice %sqrt3A {offsets = [0, 2], sizes = [320, 1], strides = [1, 1]} : vector<320x8xf32> to vector<320x1xf32>
    %get3A_50 = arith.constant 0 : index
    %get3A_51 = arith.constant 0 : index
    %get3A_52 = vector.load %arg8[%get3A_50, %get3A_51] : memref<1x16xf32, #tpu.memory_space<vmem>>, vector<1x16xf32>
    %sub3A_53 = vector.broadcast %slice3A_49 : vector<320x1xf32> to vector<320x16xf32>
    %sub3A_54 = vector.broadcast %get3A_52 : vector<1x16xf32> to vector<320x16xf32>
    %sub3A_55 = arith.subf %sub3A_53, %sub3A_54 : vector<320x16xf32>
    %get3A_56 = arith.constant 0 : index
    %get3A_57 = arith.constant 0 : index
    %get3A_58 = vector.load %arg9[%get3A_56, %get3A_57] : memref<1x16xf32, #tpu.memory_space<vmem>>, vector<1x16xf32>
    %neg3A_59 = arith.constant 0.000000e+00 : f32
    %neg3A_60 = vector.broadcast %neg3A_59 : f32 to vector<1x16xf32>
    %neg3A_61 = arith.subf %neg3A_60, %get3A_58 : vector<1x16xf32>
    %mul3A_62 = vector.broadcast %neg3A_61 : vector<1x16xf32> to vector<320x16xf32>
    %mul3A_63 = arith.mulf %mul3A_62, %sub3A_55 : vector<320x16xf32>
    %mul3A_64 = arith.mulf %mul3A_63, %sub3A_55 : vector<320x16xf32>
    %exp3A_65 = math.exp %mul3A_64 : vector<320x16xf32>
    %get3A_66 = arith.constant 0 : index
    %get3A_67 = arith.constant 0 : index
    %get3A_68 = vector.load %arg4[%get3A_66, %get3A_67] : memref<16x128xf32, #tpu.memory_space<vmem>>, vector<16x128xf32>
    %dot_general3A_69 = arith.constant dense<0.000000e+00> : vector<320x128xf32>
    %dot_general3A_70 = tpu.matmul %exp3A_65, %get3A_68, %dot_general3A_69 {dimension_numbers = #tpu.dot_dimension_numbers<[1], [0], [0], [1], [0, 0, 1, 1], [], []>, transpose_lhs_hint = false} : vector<320x16xf32>, vector<16x128xf32>, vector<320x128xf32> -> vector<320x128xf32>
    %slice3A_71 = vector.extract_strided_slice %sqrt3A {offsets = [0, 3], sizes = [320, 1], strides = [1, 1]} : vector<320x8xf32> to vector<320x1xf32>
    %get3A_72 = arith.constant 0 : index
    %get3A_73 = arith.constant 0 : index
    %get3A_74 = vector.load %arg8[%get3A_72, %get3A_73] : memref<1x16xf32, #tpu.memory_space<vmem>>, vector<1x16xf32>
    %sub3A_75 = vector.broadcast %slice3A_71 : vector<320x1xf32> to vector<320x16xf32>
    %sub3A_76 = vector.broadcast %get3A_74 : vector<1x16xf32> to vector<320x16xf32>
    %sub3A_77 = arith.subf %sub3A_75, %sub3A_76 : vector<320x16xf32>
    %get3A_78 = arith.constant 0 : index
    %get3A_79 = arith.constant 0 : index
    %get3A_80 = vector.load %arg9[%get3A_78, %get3A_79] : memref<1x16xf32, #tpu.memory_space<vmem>>, vector<1x16xf32>
    %neg3A_81 = arith.constant 0.000000e+00 : f32
    %neg3A_82 = vector.broadcast %neg3A_81 : f32 to vector<1x16xf32>
    %neg3A_83 = arith.subf %neg3A_82, %get3A_80 : vector<1x16xf32>
    %mul3A_84 = vector.broadcast %neg3A_83 : vector<1x16xf32> to vector<320x16xf32>
    %mul3A_85 = arith.mulf %mul3A_84, %sub3A_77 : vector<320x16xf32>
    %mul3A_86 = arith.mulf %mul3A_85, %sub3A_77 : vector<320x16xf32>
    %exp3A_87 = math.exp %mul3A_86 : vector<320x16xf32>
    %get3A_88 = arith.constant 0 : index
    %get3A_89 = arith.constant 0 : index
    %get3A_90 = vector.load %arg4[%get3A_88, %get3A_89] : memref<16x128xf32, #tpu.memory_space<vmem>>, vector<16x128xf32>
    %dot_general3A_91 = arith.constant dense<0.000000e+00> : vector<320x128xf32>
    %dot_general3A_92 = tpu.matmul %exp3A_87, %get3A_90, %dot_general3A_91 {dimension_numbers = #tpu.dot_dimension_numbers<[1], [0], [0], [1], [0, 0, 1, 1], [], []>, transpose_lhs_hint = false} : vector<320x16xf32>, vector<16x128xf32>, vector<320x128xf32> -> vector<320x128xf32>
    %slice3A_93 = vector.extract_strided_slice %sqrt3A {offsets = [0, 4], sizes = [320, 1], strides = [1, 1]} : vector<320x8xf32> to vector<320x1xf32>
    %get3A_94 = arith.constant 0 : index
    %get3A_95 = arith.constant 0 : index
    %get3A_96 = vector.load %arg8[%get3A_94, %get3A_95] : memref<1x16xf32, #tpu.memory_space<vmem>>, vector<1x16xf32>
    %sub3A_97 = vector.broadcast %slice3A_93 : vector<320x1xf32> to vector<320x16xf32>
    %sub3A_98 = vector.broadcast %get3A_96 : vector<1x16xf32> to vector<320x16xf32>
    %sub3A_99 = arith.subf %sub3A_97, %sub3A_98 : vector<320x16xf32>
    %get3A_100 = arith.constant 0 : index
    %get3A_101 = arith.constant 0 : index
    %get3A_102 = vector.load %arg9[%get3A_100, %get3A_101] : memref<1x16xf32, #tpu.memory_space<vmem>>, vector<1x16xf32>
    %neg3A_103 = arith.constant 0.000000e+00 : f32
    %neg3A_104 = vector.broadcast %neg3A_103 : f32 to vector<1x16xf32>
    %neg3A_105 = arith.subf %neg3A_104, %get3A_102 : vector<1x16xf32>
    %mul3A_106 = vector.broadcast %neg3A_105 : vector<1x16xf32> to vector<320x16xf32>
    %mul3A_107 = arith.mulf %mul3A_106, %sub3A_99 : vector<320x16xf32>
    %mul3A_108 = arith.mulf %mul3A_107, %sub3A_99 : vector<320x16xf32>
    %exp3A_109 = math.exp %mul3A_108 : vector<320x16xf32>
    %get3A_110 = arith.constant 0 : index
    %get3A_111 = arith.constant 0 : index
    %get3A_112 = vector.load %arg4[%get3A_110, %get3A_111] : memref<16x128xf32, #tpu.memory_space<vmem>>, vector<16x128xf32>
    %dot_general3A_113 = arith.constant dense<0.000000e+00> : vector<320x128xf32>
    %dot_general3A_114 = tpu.matmul %exp3A_109, %get3A_112, %dot_general3A_113 {dimension_numbers = #tpu.dot_dimension_numbers<[1], [0], [0], [1], [0, 0, 1, 1], [], []>, transpose_lhs_hint = false} : vector<320x16xf32>, vector<16x128xf32>, vector<320x128xf32> -> vector<320x128xf32>
    %slice3A_115 = vector.extract_strided_slice %sqrt3A {offsets = [0, 5], sizes = [320, 1], strides = [1, 1]} : vector<320x8xf32> to vector<320x1xf32>
    %get3A_116 = arith.constant 0 : index
    %get3A_117 = arith.constant 0 : index
    %get3A_118 = vector.load %arg8[%get3A_116, %get3A_117] : memref<1x16xf32, #tpu.memory_space<vmem>>, vector<1x16xf32>
    %sub3A_119 = vector.broadcast %slice3A_115 : vector<320x1xf32> to vector<320x16xf32>
    %sub3A_120 = vector.broadcast %get3A_118 : vector<1x16xf32> to vector<320x16xf32>
    %sub3A_121 = arith.subf %sub3A_119, %sub3A_120 : vector<320x16xf32>
    %get3A_122 = arith.constant 0 : index
    %get3A_123 = arith.constant 0 : index
    %get3A_124 = vector.load %arg9[%get3A_122, %get3A_123] : memref<1x16xf32, #tpu.memory_space<vmem>>, vector<1x16xf32>
    %neg3A_125 = arith.constant 0.000000e+00 : f32
    %neg3A_126 = vector.broadcast %neg3A_125 : f32 to vector<1x16xf32>
    %neg3A_127 = arith.subf %neg3A_126, %get3A_124 : vector<1x16xf32>
    %mul3A_128 = vector.broadcast %neg3A_127 : vector<1x16xf32> to vector<320x16xf32>
    %mul3A_129 = arith.mulf %mul3A_128, %sub3A_121 : vector<320x16xf32>
    %mul3A_130 = arith.mulf %mul3A_129, %sub3A_121 : vector<320x16xf32>
    %exp3A_131 = math.exp %mul3A_130 : vector<320x16xf32>
    %get3A_132 = arith.constant 0 : index
    %get3A_133 = arith.constant 0 : index
    %get3A_134 = vector.load %arg4[%get3A_132, %get3A_133] : memref<16x128xf32, #tpu.memory_space<vmem>>, vector<16x128xf32>
    %dot_general3A_135 = arith.constant dense<0.000000e+00> : vector<320x128xf32>
    %dot_general3A_136 = tpu.matmul %exp3A_131, %get3A_134, %dot_general3A_135 {dimension_numbers = #tpu.dot_dimension_numbers<[1], [0], [0], [1], [0, 0, 1, 1], [], []>, transpose_lhs_hint = false} : vector<320x16xf32>, vector<16x128xf32>, vector<320x128xf32> -> vector<320x128xf32>
    %slice3A_137 = vector.extract_strided_slice %sqrt3A {offsets = [0, 6], sizes = [320, 1], strides = [1, 1]} : vector<320x8xf32> to vector<320x1xf32>
    %get3A_138 = arith.constant 0 : index
    %get3A_139 = arith.constant 0 : index
    %get3A_140 = vector.load %arg8[%get3A_138, %get3A_139] : memref<1x16xf32, #tpu.memory_space<vmem>>, vector<1x16xf32>
    %sub3A_141 = vector.broadcast %slice3A_137 : vector<320x1xf32> to vector<320x16xf32>
    %sub3A_142 = vector.broadcast %get3A_140 : vector<1x16xf32> to vector<320x16xf32>
    %sub3A_143 = arith.subf %sub3A_141, %sub3A_142 : vector<320x16xf32>
    %get3A_144 = arith.constant 0 : index
    %get3A_145 = arith.constant 0 : index
    %get3A_146 = vector.load %arg9[%get3A_144, %get3A_145] : memref<1x16xf32, #tpu.memory_space<vmem>>, vector<1x16xf32>
    %neg3A_147 = arith.constant 0.000000e+00 : f32
    %neg3A_148 = vector.broadcast %neg3A_147 : f32 to vector<1x16xf32>
    %neg3A_149 = arith.subf %neg3A_148, %get3A_146 : vector<1x16xf32>
    %mul3A_150 = vector.broadcast %neg3A_149 : vector<1x16xf32> to vector<320x16xf32>
    %mul3A_151 = arith.mulf %mul3A_150, %sub3A_143 : vector<320x16xf32>
    %mul3A_152 = arith.mulf %mul3A_151, %sub3A_143 : vector<320x16xf32>
    %exp3A_153 = math.exp %mul3A_152 : vector<320x16xf32>
    %get3A_154 = arith.constant 0 : index
    %get3A_155 = arith.constant 0 : index
    %get3A_156 = vector.load %arg4[%get3A_154, %get3A_155] : memref<16x128xf32, #tpu.memory_space<vmem>>, vector<16x128xf32>
    %dot_general3A_157 = arith.constant dense<0.000000e+00> : vector<320x128xf32>
    %dot_general3A_158 = tpu.matmul %exp3A_153, %get3A_156, %dot_general3A_157 {dimension_numbers = #tpu.dot_dimension_numbers<[1], [0], [0], [1], [0, 0, 1, 1], [], []>, transpose_lhs_hint = false} : vector<320x16xf32>, vector<16x128xf32>, vector<320x128xf32> -> vector<320x128xf32>
    %slice3A_159 = vector.extract_strided_slice %sqrt3A {offsets = [0, 7], sizes = [320, 1], strides = [1, 1]} : vector<320x8xf32> to vector<320x1xf32>
    %get3A_160 = arith.constant 0 : index
    %get3A_161 = arith.constant 0 : index
    %get3A_162 = vector.load %arg8[%get3A_160, %get3A_161] : memref<1x16xf32, #tpu.memory_space<vmem>>, vector<1x16xf32>
    %sub3A_163 = vector.broadcast %slice3A_159 : vector<320x1xf32> to vector<320x16xf32>
    %sub3A_164 = vector.broadcast %get3A_162 : vector<1x16xf32> to vector<320x16xf32>
    %sub3A_165 = arith.subf %sub3A_163, %sub3A_164 : vector<320x16xf32>
    %get3A_166 = arith.constant 0 : index
    %get3A_167 = arith.constant 0 : index
    %get3A_168 = vector.load %arg9[%get3A_166, %get3A_167] : memref<1x16xf32, #tpu.memory_space<vmem>>, vector<1x16xf32>
    %neg3A_169 = arith.constant 0.000000e+00 : f32
    %neg3A_170 = vector.broadcast %neg3A_169 : f32 to vector<1x16xf32>
    %neg3A_171 = arith.subf %neg3A_170, %get3A_168 : vector<1x16xf32>
    %mul3A_172 = vector.broadcast %neg3A_171 : vector<1x16xf32> to vector<320x16xf32>
    %mul3A_173 = arith.mulf %mul3A_172, %sub3A_165 : vector<320x16xf32>
    %mul3A_174 = arith.mulf %mul3A_173, %sub3A_165 : vector<320x16xf32>
    %exp3A_175 = math.exp %mul3A_174 : vector<320x16xf32>
    %get3A_176 = arith.constant 0 : index
    %get3A_177 = arith.constant 0 : index
    %get3A_178 = vector.load %arg4[%get3A_176, %get3A_177] : memref<16x128xf32, #tpu.memory_space<vmem>>, vector<16x128xf32>
    %dot_general3A_179 = arith.constant dense<0.000000e+00> : vector<320x128xf32>
    %dot_general3A_180 = tpu.matmul %exp3A_175, %get3A_178, %dot_general3A_179 {dimension_numbers = #tpu.dot_dimension_numbers<[1], [0], [0], [1], [0, 0, 1, 1], [], []>, transpose_lhs_hint = false} : vector<320x16xf32>, vector<16x128xf32>, vector<320x128xf32> -> vector<320x128xf32>
    %stack3A = vector.shape_cast %dot_general3A_26 : vector<320x128xf32> to vector<320x1x128xf32>
    %stack3A_181 = vector.shape_cast %dot_general3A_48 : vector<320x128xf32> to vector<320x1x128xf32>
    %stack3A_182 = vector.shape_cast %dot_general3A_70 : vector<320x128xf32> to vector<320x1x128xf32>
    %stack3A_183 = vector.shape_cast %dot_general3A_92 : vector<320x128xf32> to vector<320x1x128xf32>
    %stack3A_184 = vector.shape_cast %dot_general3A_114 : vector<320x128xf32> to vector<320x1x128xf32>
    %stack3A_185 = vector.shape_cast %dot_general3A_136 : vector<320x128xf32> to vector<320x1x128xf32>
    %stack3A_186 = vector.shape_cast %dot_general3A_158 : vector<320x128xf32> to vector<320x1x128xf32>
    %stack3A_187 = vector.shape_cast %dot_general3A_180 : vector<320x128xf32> to vector<320x1x128xf32>
    %stack3A_188 = tpu.concatenate %stack3A, %stack3A_181, %stack3A_182, %stack3A_183, %stack3A_184, %stack3A_185, %stack3A_186, %stack3A_187 in 1 : vector<320x1x128xf32>, vector<320x1x128xf32>, vector<320x1x128xf32>, vector<320x1x128xf32>, vector<320x1x128xf32>, vector<320x1x128xf32>, vector<320x1x128xf32>, vector<320x1x128xf32> -> vector<320x8x128xf32>
    %reshape3A = vector.shape_cast %stack3A_188 : vector<320x8x128xf32> to vector<2560x128xf32>
    %add3A_189 = arith.addf %add3A, %reshape3A : vector<2560x128xf32>
    %get3A_190 = arith.constant 0 : index
    %get3A_191 = arith.constant 0 : index
    %get3A_192 = vector.load %arg5[%get3A_190, %get3A_191] : memref<1x128xf32, #tpu.memory_space<vmem>>, vector<1x128xf32>
    %add3A_193 = vector.broadcast %get3A_192 : vector<1x128xf32> to vector<2560x128xf32>
    %add3A_194 = arith.addf %add3A_189, %add3A_193 : vector<2560x128xf32>
    %logistic3A = arith.negf %add3A_194 : vector<2560x128xf32>
    %logistic3A_195 = math.exp %logistic3A : vector<2560x128xf32>
    %logistic3A_196 = arith.constant 1.000000e+00 : f32
    %logistic3A_197 = vector.broadcast %logistic3A_196 : f32 to vector<2560x128xf32>
    %logistic3A_198 = arith.addf %logistic3A_197, %logistic3A_195 : vector<2560x128xf32>
    %logistic3A_199 = arith.divf %logistic3A_197, %logistic3A_198 : vector<2560x128xf32>
    %mul3A_200 = arith.mulf %add3A_194, %logistic3A_199 : vector<2560x128xf32>
    %get3A_201 = arith.constant 0 : index
    %get3A_202 = arith.constant 0 : index
    %get3A_203 = vector.load %arg6[%get3A_201, %get3A_202] : memref<128x128xf32, #tpu.memory_space<vmem>>, vector<128x128xf32>
    %dot_general3A_204 = arith.constant dense<0.000000e+00> : vector<2560x128xf32>
    %dot_general3A_205 = tpu.matmul %mul3A_200, %get3A_203, %dot_general3A_204 {dimension_numbers = #tpu.dot_dimension_numbers<[1], [0], [0], [1], [0, 0, 1, 1], [], []>, transpose_lhs_hint = false} : vector<2560x128xf32>, vector<128x128xf32>, vector<2560x128xf32> -> vector<2560x128xf32>
    %get3A_206 = arith.constant 0 : index
    %get3A_207 = arith.constant 0 : index
    %get3A_208 = vector.load %arg7[%get3A_206, %get3A_207] : memref<1x128xf32, #tpu.memory_space<vmem>>, vector<1x128xf32>
    %add3A_209 = vector.broadcast %get3A_208 : vector<1x128xf32> to vector<2560x128xf32>
    %add3A_210 = arith.addf %dot_general3A_205, %add3A_209 : vector<2560x128xf32>
    %swap3A = arith.constant 0 : index
    %swap3A_211 = arith.constant 0 : index
    %swap3A_212 = vector.load %arg10[%swap3A, %swap3A_211] : memref<2560x128xf32, #tpu.memory_space<vmem>>, vector<2560x128xf32>
    tpu.vector_store %arg10[%swap3A, %swap3A_211], %add3A_210 {strides = array<i32>} : memref<2560x128xf32, #tpu.memory_space<vmem>>, vector<2560x128xf32>,
    return
  }
  func.func @transform_0(%arg0: i32) -> (i32, i32) {
    %c0_i32 = arith.constant 0 : i32
    %c0_i32_0 = arith.constant 0 : i32
    return %arg0, %c0_i32 : i32, i32
  }
  func.func @transform_1(%arg0: i32) -> (i32, i32) {
    %c0_i32 = arith.constant 0 : i32
    %c0_i32_0 = arith.constant 0 : i32
    return %arg0, %c0_i32 : i32, i32
  }
  func.func @transform_2(%arg0: i32) -> (i32, i32) {
    %c0_i32 = arith.constant 0 : i32
    %c0_i32_0 = arith.constant 0 : i32
    return %arg0, %c0_i32 : i32, i32
  }
  func.func @transform_3(%arg0: i32) -> (i32, i32) {
    %c0_i32 = arith.constant 0 : i32
    %c0_i32_0 = arith.constant 0 : i32
    %c0_i32_1 = arith.constant 0 : i32
    return %c0_i32, %c0_i32_0 : i32, i32
  }
  func.func @transform_4(%arg0: i32) -> (i32, i32) {
    %c0_i32 = arith.constant 0 : i32
    %c0_i32_0 = arith.constant 0 : i32
    %c0_i32_1 = arith.constant 0 : i32
    return %c0_i32, %c0_i32_0 : i32, i32
  }
  func.func @transform_5(%arg0: i32) -> (i32, i32) {
    %c0_i32 = arith.constant 0 : i32
    %c0_i32_0 = arith.constant 0 : i32
    %c0_i32_1 = arith.constant 0 : i32
    return %c0_i32, %c0_i32_0 : i32, i32
  }
  func.func @transform_6(%arg0: i32) -> (i32, i32) {
    %c0_i32 = arith.constant 0 : i32
    %c0_i32_0 = arith.constant 0 : i32
    %c0_i32_1 = arith.constant 0 : i32
    return %c0_i32, %c0_i32_0 : i32, i32
  }
  func.func @transform_7(%arg0: i32) -> (i32, i32) {
    %c0_i32 = arith.constant 0 : i32
    %c0_i32_0 = arith.constant 0 : i32
    %c0_i32_1 = arith.constant 0 : i32
    return %c0_i32, %c0_i32_0 : i32, i32
  }
  func.func @transform_8(%arg0: i32) -> (i32, i32) {
    %c0_i32 = arith.constant 0 : i32
    %c0_i32_0 = arith.constant 0 : i32
    %c0_i32_1 = arith.constant 0 : i32
    return %c0_i32, %c0_i32_0 : i32, i32
  }
  func.func @transform_9(%arg0: i32) -> (i32, i32) {
    %c0_i32 = arith.constant 0 : i32
    %c0_i32_0 = arith.constant 0 : i32
    return %arg0, %c0_i32 : i32, i32
  }
}

module attributes {stable_mosaic.version = 14 : i64} {
  func.func @_node_body(%arg0: i32, %arg1: memref<1000x128xf32, #tpu.memory_space<vmem>>, %arg2: memref<1000x128xf32, #tpu.memory_space<vmem>>, %arg3: memref<1000x128xf32, #tpu.memory_space<vmem>>, %arg4: memref<128x128xf32, #tpu.memory_space<vmem>>, %arg5: memref<128x128xf32, #tpu.memory_space<vmem>>, %arg6: memref<1x128xf32, #tpu.memory_space<vmem>>, %arg7: memref<128x128xf32, #tpu.memory_space<vmem>>, %arg8: memref<1x128xf32, #tpu.memory_space<vmem>>, %arg9: memref<1x128xf32, #tpu.memory_space<vmem>>, %arg10: memref<1x128xf32, #tpu.memory_space<vmem>>, %arg11: memref<1000x128xf32, #tpu.memory_space<vmem>>) attributes {dimension_semantics = [#tpu.dimension_semantics<arbitrary>], iteration_bounds = array<i64: 10>, scalar_prefetch = 0 : i64, scratch_operands = 0 : i64, tpu.core_type = #tpu.core_type<tc>, window_params = [{transform_indices = @transform_0, window_bounds = array<i64: 1000, 128>}, {transform_indices = @transform_1, window_bounds = array<i64: 1000, 128>}, {transform_indices = @transform_2, window_bounds = array<i64: 1000, 128>}, {pipeline_mode = #tpu.pipeline_mode<synchronous>, transform_indices = @transform_3, window_bounds = array<i64: 128, 128>}, {pipeline_mode = #tpu.pipeline_mode<synchronous>, transform_indices = @transform_4, window_bounds = array<i64: 128, 128>}, {pipeline_mode = #tpu.pipeline_mode<synchronous>, transform_indices = @transform_5, window_bounds = array<i64: 1, 128>}, {pipeline_mode = #tpu.pipeline_mode<synchronous>, transform_indices = @transform_6, window_bounds = array<i64: 128, 128>}, {pipeline_mode = #tpu.pipeline_mode<synchronous>, transform_indices = @transform_7, window_bounds = array<i64: 1, 128>}, {pipeline_mode = #tpu.pipeline_mode<synchronous>, transform_indices = @transform_8, window_bounds = array<i64: 1, 128>}, {pipeline_mode = #tpu.pipeline_mode<synchronous>, transform_indices = @transform_9, window_bounds = array<i64: 1, 128>}, {transform_indices = @transform_10, window_bounds = array<i64: 1000, 128>}]} {
    %get3A = arith.constant 0 : index
    %get3A_0 = arith.constant 0 : index
    %get3A_1 = vector.load %arg1[%get3A, %get3A_0] : memref<1000x128xf32, #tpu.memory_space<vmem>>, vector<1000x128xf32>
    %get3A_2 = arith.constant 0 : index
    %get3A_3 = arith.constant 0 : index
    %get3A_4 = vector.load %arg2[%get3A_2, %get3A_3] : memref<1000x128xf32, #tpu.memory_space<vmem>>, vector<1000x128xf32>
    %get3A_5 = arith.constant 0 : index
    %get3A_6 = arith.constant 0 : index
    %get3A_7 = vector.load %arg3[%get3A_5, %get3A_6] : memref<1000x128xf32, #tpu.memory_space<vmem>>, vector<1000x128xf32>
    %add3A = arith.addf %get3A_4, %get3A_7 : vector<1000x128xf32>
    %get3A_8 = arith.constant 0 : index
    %get3A_9 = arith.constant 0 : index
    %get3A_10 = vector.load %arg4[%get3A_8, %get3A_9] : memref<128x128xf32, #tpu.memory_space<vmem>>, vector<128x128xf32>
    %dot_general3A = arith.constant dense<0.000000e+00> : vector<1000x128xf32>
    %dot_general3A_11 = tpu.matmul %get3A_1, %get3A_10, %dot_general3A {dimension_numbers = #tpu.dot_dimension_numbers<[1], [0], [0], [1], [0, 0, 1, 1], [], []>, transpose_lhs_hint = false} : vector<1000x128xf32>, vector<128x128xf32>, vector<1000x128xf32> -> vector<1000x128xf32>
    %get3A_12 = arith.constant 0 : index
    %get3A_13 = arith.constant 0 : index
    %get3A_14 = vector.load %arg5[%get3A_12, %get3A_13] : memref<128x128xf32, #tpu.memory_space<vmem>>, vector<128x128xf32>
    %dot_general3A_15 = arith.constant dense<0.000000e+00> : vector<1000x128xf32>
    %dot_general3A_16 = tpu.matmul %add3A, %get3A_14, %dot_general3A_15 {dimension_numbers = #tpu.dot_dimension_numbers<[1], [0], [0], [1], [0, 0, 1, 1], [], []>, transpose_lhs_hint = false} : vector<1000x128xf32>, vector<128x128xf32>, vector<1000x128xf32> -> vector<1000x128xf32>
    %add3A_17 = arith.addf %dot_general3A_11, %dot_general3A_16 : vector<1000x128xf32>
    %get3A_18 = arith.constant 0 : index
    %get3A_19 = arith.constant 0 : index
    %get3A_20 = vector.load %arg6[%get3A_18, %get3A_19] : memref<1x128xf32, #tpu.memory_space<vmem>>, vector<1x128xf32>
    %add3A_21 = vector.broadcast %get3A_20 : vector<1x128xf32> to vector<1000x128xf32>
    %add3A_22 = arith.addf %add3A_17, %add3A_21 : vector<1000x128xf32>
    %logistic3A = arith.negf %add3A_22 : vector<1000x128xf32>
    %logistic3A_23 = math.exp %logistic3A : vector<1000x128xf32>
    %logistic3A_24 = arith.constant 1.000000e+00 : f32
    %logistic3A_25 = vector.broadcast %logistic3A_24 : f32 to vector<1000x128xf32>
    %logistic3A_26 = arith.addf %logistic3A_25, %logistic3A_23 : vector<1000x128xf32>
    %logistic3A_27 = arith.divf %logistic3A_25, %logistic3A_26 : vector<1000x128xf32>
    %mul3A = arith.mulf %add3A_22, %logistic3A_27 : vector<1000x128xf32>
    %get3A_28 = arith.constant 0 : index
    %get3A_29 = arith.constant 0 : index
    %get3A_30 = vector.load %arg7[%get3A_28, %get3A_29] : memref<128x128xf32, #tpu.memory_space<vmem>>, vector<128x128xf32>
    %dot_general3A_31 = arith.constant dense<0.000000e+00> : vector<1000x128xf32>
    %dot_general3A_32 = tpu.matmul %mul3A, %get3A_30, %dot_general3A_31 {dimension_numbers = #tpu.dot_dimension_numbers<[1], [0], [0], [1], [0, 0, 1, 1], [], []>, transpose_lhs_hint = false} : vector<1000x128xf32>, vector<128x128xf32>, vector<1000x128xf32> -> vector<1000x128xf32>
    %get3A_33 = arith.constant 0 : index
    %get3A_34 = arith.constant 0 : index
    %get3A_35 = vector.load %arg8[%get3A_33, %get3A_34] : memref<1x128xf32, #tpu.memory_space<vmem>>, vector<1x128xf32>
    %add3A_36 = vector.broadcast %get3A_35 : vector<1x128xf32> to vector<1000x128xf32>
    %add3A_37 = arith.addf %dot_general3A_32, %add3A_36 : vector<1000x128xf32>
    %add3A_38 = arith.addf %get3A_1, %add3A_37 : vector<1000x128xf32>
    %reduce_sum3A = arith.constant dense<0.000000e+00> : vector<1000xf32>
    %reduce_sum3A_39 = vector.multi_reduction <add>, %add3A_38, %reduce_sum3A [1] : vector<1000x128xf32> to vector<1000xf32>
    %broadcast_in_dim3A = vector.shape_cast %reduce_sum3A_39 : vector<1000xf32> to vector<1000x1xf32>
    %div3A = arith.constant 1.280000e+02 : f32
    %div3A_40 = vector.broadcast %div3A : f32 to vector<1000x1xf32>
    %div3A_41 = arith.divf %broadcast_in_dim3A, %div3A_40 : vector<1000x1xf32>
    %sub3A = vector.broadcast %div3A_41 : vector<1000x1xf32> to vector<1000x128xf32>
    %sub3A_42 = arith.subf %add3A_38, %sub3A : vector<1000x128xf32>
    %integer_pow3A = arith.mulf %sub3A_42, %sub3A_42 : vector<1000x128xf32>
    %reduce_sum3A_43 = arith.constant dense<0.000000e+00> : vector<1000xf32>
    %reduce_sum3A_44 = vector.multi_reduction <add>, %integer_pow3A, %reduce_sum3A_43 [1] : vector<1000x128xf32> to vector<1000xf32>
    %broadcast_in_dim3A_45 = vector.shape_cast %reduce_sum3A_44 : vector<1000xf32> to vector<1000x1xf32>
    %div3A_46 = arith.constant 1.280000e+02 : f32
    %div3A_47 = vector.broadcast %div3A_46 : f32 to vector<1000x1xf32>
    %div3A_48 = arith.divf %broadcast_in_dim3A_45, %div3A_47 : vector<1000x1xf32>
    %sub3A_49 = vector.broadcast %div3A_41 : vector<1000x1xf32> to vector<1000x128xf32>
    %sub3A_50 = arith.subf %add3A_38, %sub3A_49 : vector<1000x128xf32>
    %add3A_51 = arith.constant 9.99999974E-6 : f32
    %add3A_52 = vector.broadcast %add3A_51 : f32 to vector<1000x1xf32>
    %add3A_53 = arith.addf %div3A_48, %add3A_52 : vector<1000x1xf32>
    %rsqrt3A = math.rsqrt %add3A_53 : vector<1000x1xf32>
    %mul3A_54 = vector.broadcast %rsqrt3A : vector<1000x1xf32> to vector<1000x128xf32>
    %mul3A_55 = arith.mulf %sub3A_50, %mul3A_54 : vector<1000x128xf32>
    %get3A_56 = arith.constant 0 : index
    %get3A_57 = arith.constant 0 : index
    %get3A_58 = vector.load %arg9[%get3A_56, %get3A_57] : memref<1x128xf32, #tpu.memory_space<vmem>>, vector<1x128xf32>
    %mul3A_59 = vector.broadcast %get3A_58 : vector<1x128xf32> to vector<1000x128xf32>
    %mul3A_60 = arith.mulf %mul3A_55, %mul3A_59 : vector<1000x128xf32>
    %get3A_61 = arith.constant 0 : index
    %get3A_62 = arith.constant 0 : index
    %get3A_63 = vector.load %arg10[%get3A_61, %get3A_62] : memref<1x128xf32, #tpu.memory_space<vmem>>, vector<1x128xf32>
    %add3A_64 = vector.broadcast %get3A_63 : vector<1x128xf32> to vector<1000x128xf32>
    %add3A_65 = arith.addf %mul3A_60, %add3A_64 : vector<1000x128xf32>
    %swap3A = arith.constant 0 : index
    %swap3A_66 = arith.constant 0 : index
    %swap3A_67 = vector.load %arg11[%swap3A, %swap3A_66] : memref<1000x128xf32, #tpu.memory_space<vmem>>, vector<1000x128xf32>
    tpu.vector_store %arg11[%swap3A, %swap3A_66], %add3A_65 {strides = array<i32>} : memref<1000x128xf32, #tpu.memory_space<vmem>>, vector<1000x128xf32>,
    return
  }
  func.func @transform_0(%arg0: i32) -> (i32, i32) {
    %c0_i32 = arith.constant 0 : i32
    %c0_i32_0 = arith.constant 0 : i32
    return %arg0, %c0_i32 : i32, i32
  }
  func.func @transform_1(%arg0: i32) -> (i32, i32) {
    %c0_i32 = arith.constant 0 : i32
    %c0_i32_0 = arith.constant 0 : i32
    return %arg0, %c0_i32 : i32, i32
  }
  func.func @transform_2(%arg0: i32) -> (i32, i32) {
    %c0_i32 = arith.constant 0 : i32
    %c0_i32_0 = arith.constant 0 : i32
    return %arg0, %c0_i32 : i32, i32
  }
  func.func @transform_3(%arg0: i32) -> (i32, i32) {
    %c0_i32 = arith.constant 0 : i32
    %c0_i32_0 = arith.constant 0 : i32
    %c0_i32_1 = arith.constant 0 : i32
    return %c0_i32, %c0_i32_0 : i32, i32
  }
  func.func @transform_4(%arg0: i32) -> (i32, i32) {
    %c0_i32 = arith.constant 0 : i32
    %c0_i32_0 = arith.constant 0 : i32
    %c0_i32_1 = arith.constant 0 : i32
    return %c0_i32, %c0_i32_0 : i32, i32
  }
  func.func @transform_5(%arg0: i32) -> (i32, i32) {
    %c0_i32 = arith.constant 0 : i32
    %c0_i32_0 = arith.constant 0 : i32
    %c0_i32_1 = arith.constant 0 : i32
    return %c0_i32, %c0_i32_0 : i32, i32
  }
  func.func @transform_6(%arg0: i32) -> (i32, i32) {
    %c0_i32 = arith.constant 0 : i32
    %c0_i32_0 = arith.constant 0 : i32
    %c0_i32_1 = arith.constant 0 : i32
    return %c0_i32, %c0_i32_0 : i32, i32
  }
  func.func @transform_7(%arg0: i32) -> (i32, i32) {
    %c0_i32 = arith.constant 0 : i32
    %c0_i32_0 = arith.constant 0 : i32
    %c0_i32_1 = arith.constant 0 : i32
    return %c0_i32, %c0_i32_0 : i32, i32
  }
  func.func @transform_8(%arg0: i32) -> (i32, i32) {
    %c0_i32 = arith.constant 0 : i32
    %c0_i32_0 = arith.constant 0 : i32
    %c0_i32_1 = arith.constant 0 : i32
    return %c0_i32, %c0_i32_0 : i32, i32
  }
  func.func @transform_9(%arg0: i32) -> (i32, i32) {
    %c0_i32 = arith.constant 0 : i32
    %c0_i32_0 = arith.constant 0 : i32
    %c0_i32_1 = arith.constant 0 : i32
    return %c0_i32, %c0_i32_0 : i32, i32
  }
  func.func @transform_10(%arg0: i32) -> (i32, i32) {
    %c0_i32 = arith.constant 0 : i32
    %c0_i32_0 = arith.constant 0 : i32
    return %arg0, %c0_i32 : i32, i32
  }
}

</mosaic_0001>

<sc_bundles>
// kernel: kernel.10.cloned.1.call-start
scs
__scs_entry_jumppad:
0x0: {  	(pc) =	sbr.rel $0x88, $3  }
0x1: {  	(tag) =	ssettag $0x0;
	lr =	simm.s32 $0x1  }
0x2: {  	[smem:$0x3F92] =	sst lr;
	_ =	strace $0xD0000000  }
0x3: {  	_ = 	snop  }
0x4: {  	_ = 	snop  }
0x5: {  	_ = 	snop  }
0x6: {  	_ = 	snop  }
0x7: {  	_ = 	snop  }
__scs_overlays_trampoline_lowered:
0x8: {  	[smem:$0x3FA1] =	sst s0  }
0x9: {  	[smem:$0x3FA2] =	sst s1  }
0xa: {  	[smem:$0x3FA3] =	sst s2  }
0xb: {  	[smem:$0x3FA4] =	sst s3  }
0xc: {  	[smem:$0x3FA5] =	sst s4  }
0xd: {  	[smem:$0x3FA6] =	sst s5  }
0xe: {  	[smem:$0x3FA7] =	sst s6  }
0xf: {  	[smem:$0x3FA8] =	sst s7  }
0x10: {  	[smem:$0x3FA9] =	sst s8  }
0x11: {  	[smem:$0x3FAA] =	sst s9;
	s0 =	simm.s32 @!p0 $0x0  }
0x12: {  	s1 =	sld [smem:$0x3F90];
	s0 =	simm.s32 @p0 $0x1  }
0x13: {  	[smem:$0x3FAB] =	sst s0;
	s0 =	simm.s32 @!p1 $0x0  }
0x14: {  	s2 =	sld [smem:$0x3F8F];
	s0 =	simm.s32 @p1 $0x1  }
0x15: {  	[smem:$0x3FAC] =	sst s0;
	s0 =	simm.s32 @!p2 $0x0  }
0x16: {  	s3 =	sld [smem:$0x3FDB];
	s0 =	simm.s32 @p2 $0x1  }
0x17: {  	s4 =	simm.s32 $0x1BF5;
	[smem:$0x3FAE] =	sst s0  }
0x18: {  	s0 =	sld [smem:$0x3F91];
	_ =	swait.ge [sflag:s4], $0x0  }
0x19: {  	s7 =	sld [smem:$0x3F92]  }
0x1a: {  	s8 =	sadd.s32 $0xFFFFE003, lr  }
0x1b: {  	s9 =	sadd.s32 $0xFFFFFEF7, lr;
	s5 =	simm.s32 $0xFFFFFFFF;
	p2 =	slt.u32 s8, $0xFFFFF086  }
0x1c: {  	p1 =	slt.u32 s9, $0xF7A;
	s5 =	simm.s32 @!p2 $0x0  }
0x1d: {  	s5 =	simm.s32 @p1 $0x1;
	p0 =	seq.s32 s7, s2  }
0x1e: {  	s7 =	smul.u32 @!p0 $0xF7A, s2;
	p2 =	seq.s32 @!p0 s5, $0x0  }
0x1f: {  	s9 =	smul.u32 $0xF7A, s1;
	s8 =	simm.s32 @!p0 $0x1BF5;
	p2 =	por !p2, p0  }
0x20: {  	[sflag:s8] =	ssyncset.s32 @!p0 $0xFFFFF086;
	s6 =	sadd.s32 @!p0 s3, s7;
	s7 =	simm.s32 @!p0 $0x108  }
0x21: {  	s3 =	sadd.s32 s3, s9;
	s6 =	sadd.s32 @!p0 $0x88, s6;
	s7 =	simm.s32 @p2 $0x1082  }
0x22: {  	[simem:s7], [sflag:s8] =	dma.local @!p0 [hbm:s6], $0xF7A  }
0x23: {  	s9 =	sor.u32 $0xD0000000, s2;
	s6 =	simm.s32 $0x108;
	_ =	swait.ge @!p0 [sflag:s8], $0x0  }
0x24: {  	s3 =	sadd.s32 $0x88, s3;
	s6 =	simm.s32 @!p1 $0x1082;
	[sflag:s4] =	ssyncset.s32 $0xFFFFF086  }
0x25: {  	[simem:s6], [sflag:s4] =	dma.local [hbm:s3], $0xF7A  }
0x26: {  	[smem:$0x3F92] =	sst s1;
	(tag) =	ssettag s2;
	_ =	strace s9  }
0x27: {  	s1 =	sld [smem:$0x3FA2]  }
0x28: {  	s2 =	sld [smem:$0x3FA3]  }
0x29: {  	s4 =	sld [smem:$0x3FA5]  }
0x2a: {  	p0 =	seq.s32 s5, $0x0;
	s5 =	sld [smem:$0x3FA6]  }
0x2b: {  	s6 =	sld [smem:$0x3FA7]  }
0x2c: {  	s7 =	sld [smem:$0x3FA8]  }
0x2d: {  	s3 =	simm.s32 $0x108;
	s8 =	sld [smem:$0x3FA9]  }
0x2e: {  	s3 =	simm.s32 @!p0 $0x1082;
	s9 =	sld [smem:$0x3FAA]  }
0x2f: {  	lr =	sadd.s32 s0, s3;
	s0 =	sld [smem:$0x3FA1]  }
0x30: {  	s3 =	sld [smem:$0x3FA4]  }
0x31: {  	[smem:$0x3FAD] =	sst s10  }
0x32: {  	s10 =	sld [smem:$0x3FAB];
	_ =	sdelay $0x3  }
0x33: {  	p0 =	seq.s32 s10, $0x1;
	s10 =	sld [smem:$0x3FAD];
	_ =	sdelay $0x3  }
0x34: {  	[smem:$0x3FAD] =	sst s10  }
0x35: {  	s10 =	sld [smem:$0x3FAC];
	_ =	sdelay $0x3  }
0x36: {  	p1 =	seq.s32 s10, $0x1;
	s10 =	sld [smem:$0x3FAD];
	_ =	sdelay $0x3  }
0x37: {  	[smem:$0x3FAD] =	sst s10  }
0x38: {  	s10 =	sld [smem:$0x3FAE]  }
0x39: {  	_ = 	snop;
	(pc) =	sbr.ind lr, $3  }
0x3a: {  	_ = 	snop  }
0x3b: {  	_ = 	snop  }
0x3c: {  	p2 =	seq.s32 s10, $0x1;
	s10 =	sld [smem:$0x3FAD]  }
0x3d: {  	_ =	shalt  }
0x3e: {  	_ =	shalt  }
0x3f: {  	_ =	shalt  }
0x40: {  	_ =	shalt  }
0x41: {  	_ =	shalt  }
0x42: {  	_ =	shalt  }
0x43: {  	_ =	shalt  }
0x44: {  	_ =	shalt  }
0x45: {  	_ =	shalt  }
0x46: {  	_ =	shalt  }
0x47: {  	_ =	shalt  }
0x48: {  	_ =	shalt  }
0x49: {  	_ =	shalt  }
0x4a: {  	_ =	shalt  }
0x4b: {  	_ =	shalt  }
0x4c: {  	_ =	shalt  }
0x4d: {  	_ =	shalt  }
0x4e: {  	_ =	shalt  }
0x4f: {  	_ =	shalt  }
0x50: {  	_ =	shalt  }
0x51: {  	_ =	shalt  }
0x52: {  	_ =	shalt  }
0x53: {  	_ =	shalt  }
0x54: {  	_ =	shalt  }
0x55: {  	_ =	shalt  }
0x56: {  	_ =	shalt  }
0x57: {  	_ =	shalt  }
0x58: {  	_ =	shalt  }
0x59: {  	_ =	shalt  }
0x5a: {  	_ =	shalt  }
0x5b: {  	_ =	shalt  }
0x5c: {  	_ =	shalt  }
0x5d: {  	_ =	shalt  }
0x5e: {  	_ =	shalt  }
0x5f: {  	_ =	shalt  }
0x60: {  	_ =	shalt  }
0x61: {  	_ =	shalt  }
0x62: {  	_ =	shalt  }
0x63: {  	_ =	shalt  }
0x64: {  	_ =	shalt  }
0x65: {  	_ =	shalt  }
0x66: {  	_ =	shalt  }
0x67: {  	_ =	shalt  }
0x68: {  	_ =	shalt  }
0x69: {  	_ =	shalt  }
0x6a: {  	_ =	shalt  }
0x6b: {  	_ =	shalt  }
0x6c: {  	_ =	shalt  }
0x6d: {  	_ =	shalt  }
0x6e: {  	_ =	shalt  }
0x6f: {  	_ =	shalt  }
0x70: {  	_ =	shalt  }
0x71: {  	_ =	shalt  }
0x72: {  	_ =	shalt  }
0x73: {  	_ =	shalt  }
0x74: {  	_ =	shalt  }
0x75: {  	_ =	shalt  }
0x76: {  	_ =	shalt  }
0x77: {  	_ =	shalt  }
0x78: {  	_ =	shalt  }
0x79: {  	_ =	shalt  }
0x7a: {  	_ =	shalt  }
0x7b: {  	_ =	shalt  }
0x7c: {  	_ =	shalt  }
0x7d: {  	_ =	shalt  }
0x7e: {  	_ =	shalt  }
0x7f: {  	_ =	shalt  }
0x80: {  	_ =	shalt  }
0x81: {  	_ =	shalt  }
0x82: {  	_ =	shalt  }
0x83: {  	_ =	shalt  }
0x84: {  	_ =	shalt  }
0x85: {  	_ =	shalt  }
0x86: {  	_ =	shalt  }
0x87: {  	_ =	shalt  }
.Lfunc_end0:
.L_simem_size_0:
called_computation.1_lowered:
.L_overlay_start_0:
0x88: {  	s2 =	sld [smem:$0x3FD9]  }
0x89: {  	s3 =	sld [smem:$0x3FFE];
	_ =	sdelay $0x1  }
0x8a: {  	s1 =	srdreg.scid  }
0x8b: {  	s0 =	sand.u32 $0x1, s1  }
0x8c: {  	s17 =	sshll.u32 s0, $0xA;
	s2 =	sadd.s32 s3, s2  }
0x8d: {  	s2 =	sadd.s32 s2, s17  }
0x8e: {  	[smem:$0x3FB9] =	sst s2  }
0x8f: {  	_ = 	snop  }
0x90: {  	s2 =	sld [smem:$0x3FD0];
	(tm) =	ssettm $0x1  }
0x91: {  	s18 =	sld [smem:$0x3FFB];
	_ =	sdelay $0x3  }
0x92: {  	_ =	strace s18  }
0x93: {  	s3 =	sld [smem:$0x3FFC];
	_ =	sdelay $0x3  }
0x94: {  	_ =	strace s3  }
0x95: {  	s3 =	sld [smem:$0x3FFD];
	_ =	sdelay $0x3  }
0x96: {  	_ =	strace s3  }
0x97: {  	_ =	strace $0x8FFFFFFF  }
0x98: {  	s19 =	sld [smem:$0x3FDB];
	_ =	sdelay $0x1  }
0x99: {  	s4 =	simm.s32 $_scs_section_size  }
0x9a: {  	s5 =	simm.s32 $_size__tile_overlayer_lowered;
	s6 =	simm.s32 $_tile_overlayer_lowered  }
0x9b: {  	s22 =	simm.s32 $0x1BFF;
	s21 =	sshll.u32 s6, $0x1;
	s3 =	sadd.s32 s4, s19  }
0x9c: {  	s7 =	simm.s32 $0x0;
	s20 =	sshll.u32 s5, $0x1;
	s5 =	sadd.s32 s21, s3  }
0x9d: {  	[timem:s7], [sflag:s22] =	dma.local [hbm:s5], s20  }
0x9e: {  	_ =	swait.ge [sflag:s22], s20  }
0x9f: {  	s4 =	ssub.s32 $0x0, s20;
	[sflag:s22] =	ssyncset.done $0x0  }
0xa0: {  	[sflag:s22] =	ssyncadd.s32 s4;
	_ =	sdelay $0x1  }
0xa1: {  	s23 =	simm.s32 $0x1B8B  }
0xa2: {  	_ =	swait.ge [sflag:s23], $0x1  }
0xa3: {  	[sflag:s23] =	ssyncset.done $0x0  }
0xa4: {  	s25 =	simm.s32 $0x1B8E;
	s24 =	sld [smem:$0x3FFE];
	[sflag:s23] =	ssyncadd.s32 $0xFFFFFFFF  }
0xa5: {  	s26 =	simm.s32 $execute0_lowered;
	[smem:$0x3FD2] =	sst s25  }
0xa6: {  	s5 =	sshll.u32 s26, $0x1;
	_ =	strace $0x80000049;
	[dreg:$0x1] =	wrdreg $0xFFFFFFFF  }
0xa7: {  	s28 =	simm.s32 $_size_execute0_lowered;
	s3 =	sadd.s32 s3, s5;
	[dreg:$0x0] =	wrdreg $0x0  }
0xa8: {  	s5 =	sshll.u32 s28, $0x1;
	[dreg:$0x2] =	wrdreg s3  }
0xa9: {  	[dreg:$0x3] =	wrdreg s5  }
0xaa: {  	[dreg:$0x4] =	wrdreg $0xC0  }
0xab: {  	_ =	task [dreg:s7], $0x5FFFF  }
0xac: {  	[dreg:$0x1] =	wrdreg $0xFFFFFFFF  }
0xad: {  	[dreg:$0x0] =	wrdreg $0x60  }
0xae: {  	[dreg:$0x2] =	wrdreg s24  }
0xaf: {  	[dreg:$0x3] =	wrdreg s2  }
0xb0: {  	[dreg:$0x4] =	wrdreg $0x51000  }
0xb1: {  	[dreg:$0x5] =	wrdreg $0x9  }
0xb2: {  	_ =	task.clear_ibuf [dreg:s7], $0x6FFFF;
	_ =	strace $0x90000049  }
0xb3: {  	s29 =	simm.s32 $0x9;
	_ =	strace $0x8000004B  }
0xb4: {  	_ =	swait.ge [sflag:s29], $0x1  }
0xb5: {  	[sflag:s29] =	ssyncadd.s32 $0xFFFFFFFF  }
0xb6: {  	_ =	strace $0x9000004B  }
0xb7: {  	_ =	sfence  }
0xb8: {  	s30 =	sld [smem:$0x0];
	_ =	sdelay $0x2  }
0xb9: {  	s31 =	sshll.u32 s1, $0xD;
	s1 =	sshrl.u32 s1, $0x2  }
0xba: {  	s3 =	sand.u32 $0x4000, s31;
	s1 =	sadd.s32 s1, s30  }
0xbb: {  	s0 =	sor.u32 s3, s0;
	s1 =	sshll.u32 s1, $0x11  }
0xbc: {  	s0 =	sor.u32 s1, s0  }
0xbd: {  	s0 =	sadd.s32 $0x8F2B, s0  }
0xbe: {  	[sflag:s0] =	ssyncadd.remote.s32 $0x1  }
0xbf: {  	_ =	sfence.sel $0xFFFF  }
0xc0: {  	[dreg:$0x0] =	wrdreg $0xFFFFFFFF;
	(pc) =	sbr.abs _section_cstart, $3  }
0xc1: {  	[dreg:$0x1] =	wrdreg $0xFFFFFFFF  }
0xc2: {  	_ =	task.clear_ibuf [dreg:s7], $0x2FFFF;
	_ =	strace $0x9FFFFFFF  }
0xc3: {  	(tm) =	ssettm $0x7FFFFFFF  }
tec
execute0_lowered:
.L_overlay_start_1:
0x0: {  	(tag) =	ssettag $0x1  }
0x1: {  	s0 =	srdreg.scid;
	s1 =	rddreg [dreg:$0x0]  }
0x2: {  	s23 =	stileid.u32;
	s5 =	rddreg [dreg:$0x1]  }
0x3: {  	s2 =	rddreg [dreg:$0x2];
	s3 =	simm.s32 $0x0;
	s28 =	simm.s32 $0x80  }
0x4: {  	s29 =	simm.s32 $0x2900;
	s30 =	simm.s32 $0x50;
	s31 =	simm.s32 $0x3  }
0x5: {  	s0 =	sand.u32 $0x1, s0;
	s6 =	smul.u32 $0x14000, s23;
	[smem:$0x7FF] =	sst s3  }
0x6: {  	s16 =	smul.u32 $0x50000, s23;
	s20 =	sadd.s32 $0xA2AE00, s1;
	s17 =	sshll.u32 s23, $0x1  }
0x7: {  	s4 =	smul.u32 $0x140000, s0;
	s7 =	ssub.s32 $0x2, s0;
	s10 =	sor.u32 s0, s17  }
0x8: {  	_ =	strace $0x8000004A;
	s8 =	sshrl.u32 s7, $0x1;
	s14 =	smul.u32 $0x2710, s10  }
0x9: {  	s13 =	smul.u32 $0x27100, s10;
	s4 =	sadd.s32 s6, s4;
	s6 =	sshrl.u32 s16, $0x2  }
0xa: {  	s15 =	ssub.s32 s7, s8;
	s4 =	sshrl.u32 s4, $0x3;
	s12 =	sshrl.u32 s14, $0x3  }
0xb: {  	s13 =	sadd.s32 s20, s13;
	s17 =	sadd.s32 $0x50, s14;
	s15 =	smax.u32 s15, $0x1  }
0xc: {  	s1 =	sadd.s32 s4, s1;
	s4 =	sadd.s32 s6, s2;
	s12 =	sadd.s32 s5, s12  }
0xd: {  	s21 =	sshrl.u32 s17, $0x3;
	s22 =	sshll.u32 s17, $0x4;
	s6 =	sadd.s32 $0x2800, s4  }
0xe: {  	s18 =	sadd.s32 $0x5000, s4;
	s19 =	sadd.s32 $0x7800, s4;
	s8 =	sadd.s32 $0xA000, s4  }
0xf: {  	s9 =	sadd.s32 $0xC800, s4;
	s16 =	sadd.s32 s5, s21;
	s21 =	smul.u32 $0x4E20, s23  }
0x10: {  	s10 =	sadd.s32 $0xF000, s4;
	s17 =	sadd.s32 s20, s22;
	s22 =	smul.u32 $0x2710, s0  }
0x11: {  	s11 =	sadd.s32 $0x11800, s4;
	s23 =	smul.u32 $0x4E200, s23;
	[dreg:$0x4] =	wrdreg s6  }
0x12: {  	s0 =	smul.u32 $0x27100, s0;
	[dreg:$0x6] =	wrdreg s19;
	s19 =	sadd.s32 $0xA0, s14  }
0x13: {  	[dreg:$0x5] =	wrdreg s18;
	s14 =	sadd.s32 $0x2600, s1;
	s24 =	sshrl.u32 s19, $0x3  }
0x14: {  	s25 =	sshll.u32 s19, $0x4;
	s26 =	sadd.s32 s22, s21;
	s18 =	sadd.s32 s5, s24  }
0x15: {  	s19 =	sadd.s32 s20, s25;
	s20 =	sadd.s32 s23, s20;
	s21 =	sadd.s32 $0x140, s26  }
0x16: {  	s1 =	sadd.s32 $0xF0, s26;
	s23 =	simm.s32 $0x100;
	s24 =	simm.s32 $0x4  }
0x17: {  	s25 =	simm.s32 $0x1;
	s26 =	simm.s32 $0x2;
	s0 =	sadd.s32 s0, s20  }
0x18: {  	s21 =	sshrl.u32 s21, $0x3;
	s1 =	sshrl.u32 s1, $0x3;
	s20 =	sadd.s32 $0x1400, s0  }
0x19: {  	v0 =	vimm.f32 $0.0e+00;
	s21 =	sadd.s32 s21, s5;
	s22 =	sadd.s32 s1, s5;
	s1 =	simm.s32 $0x0  }
.LBB2_1:
0x1a: {  	s0 =	simm.s32 $0x0;
	s5 =	simm.s32 $0x200  }
.LBB2_2:
0x1b: {  	p0 =	sne.s32 s5, $0x9E00;
	[tilespmem:s0+$0x170] =	vst v0  }
0x1c: {  	[tilespmem:s0+$0x100] =	vst v0  }
0x1d: {  	[tilespmem:s0+$0x110] =	vst v0  }
.Ltmp0:
0x1e: {  	[tilespmem:s0+$0x120] =	vst v0;
	(pc) =	sbr.rel @p0 .LBB2_2-.Ltmp0, $4  }
0x1f: {  	[tilespmem:s0+$0x130] =	vst v0  }
0x20: {  	[tilespmem:s0+$0x140] =	vst v0  }
0x21: {  	[tilespmem:s0+$0x150] =	vst v0  }
0x22: {  	[tilespmem:s0+$0x160] =	vst v0;
	s0 =	sshra.s32 s5, $0x2;
	s5 =	sadd.s32 $0x200, s5  }
0x23: {  	[tilespmem:s0+$0x170] =	vst v0  }
0x24: {  	[tilespmem:s0+$0x100] =	vst v0  }
0x25: {  	[tilespmem:s0+$0x110] =	vst v0  }
0x26: {  	[tilespmem:s0+$0x120] =	vst v0  }
0x27: {  	[tilespmem:s0+$0x130] =	vst v0  }
0x28: {  	[tilespmem:s0+$0x140] =	vst v0  }
0x29: {  	[tilespmem:s0+$0x150] =	vst v0  }
0x2a: {  	[tilespmem:s0+$0x160] =	vst v0  }
0x2b: {  	[spmem:s4] =	stream.linear.scatter [tilespmem:s23], [sflag:$0x4], $0x2800, $0x38;
	[tilespmem:$0x19100] =	vst v63  }
0x2c: {  	_ =	swait.ge [sflag:s24], $0x2800  }
0x2d: {  	[sflag:s24] =	ssyncset.done $0x0  }
0x2e: {  	s7 =	rddreg [dreg:$0x4];
	[sflag:s24] =	ssyncadd.s32 $0xFFFFD800  }
0x2f: {  	[spmem:s7] =	stream.linear.scatter [tilespmem:s23], [sflag:$0x4], $0x2800, $0x38;
	[tilespmem:$0x19100] =	vst v63  }
0x30: {  	_ =	swait.ge [sflag:s24], $0x2800  }
0x31: {  	[sflag:s24] =	ssyncset.done $0x0  }
0x32: {  	s5 =	rddreg [dreg:$0x5];
	[sflag:s24] =	ssyncadd.s32 $0xFFFFD800  }
0x33: {  	[spmem:s5] =	stream.linear.scatter [tilespmem:s23], [sflag:$0x4], $0x2800, $0x38;
	[tilespmem:$0x19100] =	vst v63  }
0x34: {  	_ =	swait.ge [sflag:s24], $0x2800  }
0x35: {  	[sflag:s24] =	ssyncset.done $0x0  }
0x36: {  	s6 =	rddreg [dreg:$0x6];
	[sflag:s24] =	ssyncadd.s32 $0xFFFFD800  }
0x37: {  	[spmem:s6] =	stream.linear.scatter [tilespmem:s23], [sflag:$0x4], $0x2800, $0x38;
	[tilespmem:$0x19100] =	vst v63  }
0x38: {  	_ =	swait.ge [sflag:s24], $0x2800  }
0x39: {  	[sflag:s24] =	ssyncset.done $0x0  }
0x3a: {  	[sflag:s24] =	ssyncadd.s32 $0xFFFFD800  }
0x3b: {  	[spmem:s8] =	stream.linear.scatter [tilespmem:s23], [sflag:$0x4], $0x2800, $0x38;
	[tilespmem:$0x19100] =	vst v63  }
0x3c: {  	_ =	swait.ge [sflag:s24], $0x2800  }
0x3d: {  	[sflag:s24] =	ssyncset.done $0x0  }
0x3e: {  	[sflag:s24] =	ssyncadd.s32 $0xFFFFD800  }
0x3f: {  	[spmem:s9] =	stream.linear.scatter [tilespmem:s23], [sflag:$0x4], $0x2800, $0x38;
	[tilespmem:$0x19100] =	vst v63  }
0x40: {  	_ =	swait.ge [sflag:s24], $0x2800  }
0x41: {  	[sflag:s24] =	ssyncset.done $0x0  }
0x42: {  	[sflag:s24] =	ssyncadd.s32 $0xFFFFD800  }
0x43: {  	[spmem:s10] =	stream.linear.scatter [tilespmem:s23], [sflag:$0x4], $0x2800, $0x38;
	[tilespmem:$0x19100] =	vst v63  }
0x44: {  	_ =	swait.ge [sflag:s24], $0x2800  }
0x45: {  	[sflag:s24] =	ssyncset.done $0x0  }
0x46: {  	[sflag:s24] =	ssyncadd.s32 $0xFFFFD800  }
0x47: {  	[spmem:s11] =	stream.linear.scatter [tilespmem:s23], [sflag:$0x4], $0x2800, $0x38;
	[tilespmem:$0x19100] =	vst v63  }
0x48: {  	_ =	swait.ge [sflag:s24], $0x2800  }
0x49: {  	[sflag:s24] =	ssyncset.done $0x0  }
0x4a: {  	[sflag:s24] =	ssyncadd.s32 $0xFFFFD800  }
0x4b: {  	s7 =	simm.s32 $0x0;
	[bflag:$0x0] =	sbarrier.arrive $0xFFFF  }
0x4c: {  	[tilespmem:s7], [sflag:$0x1] =	stream.linear.gather [hbm4b:s12+s7], $0x50, $0x38;
	[tilespmem:$0x19100] =	vst v63  }
0x4d: {  	_ = 	snop  }
0x4e: {  	[tilespmem:s23], [sflag:$0x2] =	stream.linear.gather [hbm4b:s13+s7], $0x2800, $0x38;
	[tilespmem:$0x19100] =	vst v63  }
0x4f: {  	_ =	swait.ge [sflag:s25], $0x50  }
0x50: {  	[sflag:s25] =	ssyncset.done $0x0  }
0x51: {  	[sflag:s25] =	ssyncadd.s32 $0xFFFFFFB0  }
0x52: {  	_ =	swait.ge [sflag:s26], $0x2800  }
0x53: {  	[sflag:s26] =	ssyncset.done $0x0  }
0x54: {  	[sflag:s26] =	ssyncadd.s32 $0xFFFFD800  }
0x55: {  	[tilespmem:s28], [sflag:$0x1] =	stream.linear.gather [hbm4b:s16+s7], $0x50, $0x38;
	[tilespmem:$0x19100] =	vst v63  }
0x56: {  	_ = 	snop  }
0x57: {  	[tilespmem:s29], [sflag:$0x2] =	stream.linear.gather [hbm4b:s17+s7], $0x2800, $0x38;
	[tilespmem:$0x19100] =	vst v63  }
0x58: {  	_ = 	snop  }
0x59: {  	[spmem:s2] =	stream.indirect.scatter.add.f32 [tilespmem:s23], [sflag:$0x3], $0x80, s7, s30, $0xb8;
	[tilespmem:$0x19100] =	vst v63  }
0x5a: {  	_ =	swait.ge [sflag:s31], $0x2800  }
0x5b: {  	[sflag:s31] =	ssyncset.done $0x0  }
0x5c: {  	[sflag:s31] =	ssyncadd.s32 $0xFFFFD800  }
0x5d: {  	_ =	swait.ge [sflag:s25], $0x50  }
0x5e: {  	[sflag:s25] =	ssyncset.done $0x0  }
0x5f: {  	[sflag:s25] =	ssyncadd.s32 $0xFFFFFFB0  }
0x60: {  	_ =	swait.ge [sflag:s26], $0x2800  }
0x61: {  	[sflag:s26] =	ssyncset.done $0x0  }
0x62: {  	[sflag:s26] =	ssyncadd.s32 $0xFFFFD800  }
0x63: {  	[tilespmem:s7], [sflag:$0x1] =	stream.linear.gather [hbm4b:s18+s7], $0x50, $0x38;
	[tilespmem:$0x19100] =	vst v63  }
0x64: {  	_ = 	snop  }
0x65: {  	[tilespmem:s23], [sflag:$0x2] =	stream.linear.gather [hbm4b:s19+s7], $0x2800, $0x38;
	[tilespmem:$0x19100] =	vst v63  }
0x66: {  	_ = 	snop  }
0x67: {  	[spmem:s2] =	stream.indirect.scatter.add.f32 [tilespmem:s29], [sflag:$0x3], $0x80, s28, s30, $0xb8;
	[tilespmem:$0x19100] =	vst v63  }
0x68: {  	_ =	swait.ge [sflag:s31], $0x2800  }
0x69: {  	[sflag:s31] =	ssyncset.done $0x0  }
0x6a: {  	[sflag:s31] =	ssyncadd.s32 $0xFFFFD800  }
0x6b: {  	_ =	swait.ge [sflag:s25], $0x50  }
0x6c: {  	[sflag:s25] =	ssyncset.done $0x0  }
0x6d: {  	[sflag:s25] =	ssyncadd.s32 $0xFFFFFFB0  }
0x6e: {  	_ =	swait.ge [sflag:s26], $0x2800  }
0x6f: {  	[sflag:s26] =	ssyncset.done $0x0  }
0x70: {  	s5 =	sadd.s32 $0x0, s22;
	[sflag:s26] =	ssyncadd.s32 $0xFFFFD800  }
0x71: {  	[tilespmem:s28], [sflag:$0x1] =	stream.linear.gather [hbm4b:s5+s3], $0x50, $0x38;
	[tilespmem:$0x19100] =	vst v63  }
0x72: {  	s6 =	sadd.s32 $0xFFFFFB00, s20  }
0x73: {  	[tilespmem:s29], [sflag:$0x2] =	stream.linear.gather [hbm4b:s6+s3], $0x2800, $0x38;
	[tilespmem:$0x19100] =	vst v63  }
0x74: {  	_ = 	snop  }
0x75: {  	[spmem:s2] =	stream.indirect.scatter.add.f32 [tilespmem:s23], [sflag:$0x3], $0x80, s3, s30, $0xb8;
	[tilespmem:$0x19100] =	vst v63  }
0x76: {  	_ =	swait.ge [sflag:s31], $0x2800  }
0x77: {  	[sflag:s31] =	ssyncset.done $0x0  }
0x78: {  	[sflag:s31] =	ssyncadd.s32 $0xFFFFD800  }
0x79: {  	_ =	swait.ge [sflag:s25], $0x50  }
0x7a: {  	[sflag:s25] =	ssyncset.done $0x0  }
0x7b: {  	[sflag:s25] =	ssyncadd.s32 $0xFFFFFFB0  }
0x7c: {  	_ =	swait.ge [sflag:s26], $0x2800  }
0x7d: {  	[sflag:s26] =	ssyncset.done $0x0  }
0x7e: {  	s7 =	sadd.s32 $0x0, s21;
	[sflag:s26] =	ssyncadd.s32 $0xFFFFD800  }
0x7f: {  	[tilespmem:s3], [sflag:$0x1] =	stream.linear.gather [hbm4b:s7+s3], $0x50, $0x38;
	[tilespmem:$0x19100] =	vst v63  }
0x80: {  	s0 =	simm.s32 $0x14;
	s5 =	sadd.s32 $0xA00, s20  }
0x81: {  	[tilespmem:s23], [sflag:$0x2] =	stream.linear.gather [hbm4b:s20+s3], $0x2800, $0x38;
	[tilespmem:$0x19100] =	vst v63  }
.LBB2_4:
0x82: {  	[spmem:s2] =	stream.indirect.scatter.add.f32 [tilespmem:s29], [sflag:$0x3], $0x80, s28, s30, $0xb8;
	[tilespmem:$0x19100] =	vst v63  }
0x83: {  	s6 =	smov.u32 s0  }
0x84: {  	p0 =	sne.s32 s0, $0x4B0;
	s0 =	sadd.s32 $0x14, s0;
	_ =	swait.ge [sflag:s31], $0x2800  }
0x85: {  	[sflag:s31] =	ssyncset.done $0x0  }
0x86: {  	[sflag:s31] =	ssyncadd.s32 $0xFFFFD800  }
0x87: {  	_ =	swait.ge [sflag:s25], $0x50  }
0x88: {  	[sflag:s25] =	ssyncset.done $0x0  }
0x89: {  	[sflag:s25] =	ssyncadd.s32 $0xFFFFFFB0  }
0x8a: {  	_ =	swait.ge [sflag:s26], $0x2800  }
0x8b: {  	[sflag:s26] =	ssyncset.done $0x0  }
0x8c: {  	s7 =	sadd.s32 s6, s22;
	[sflag:s26] =	ssyncadd.s32 $0xFFFFD800  }
0x8d: {  	[tilespmem:s28], [sflag:$0x1] =	stream.linear.gather [hbm4b:s7+s3], $0x50, $0x38;
	[tilespmem:$0x19100] =	vst v63  }
0x8e: {  	s7 =	sadd.s32 $0xFFFFFB00, s5  }
0x8f: {  	[tilespmem:s29], [sflag:$0x2] =	stream.linear.gather [hbm4b:s7+s3], $0x2800, $0x38;
	[tilespmem:$0x19100] =	vst v63  }
0x90: {  	_ = 	snop  }
0x91: {  	[spmem:s2] =	stream.indirect.scatter.add.f32 [tilespmem:s23], [sflag:$0x3], $0x80, s3, s30, $0xb8;
	[tilespmem:$0x19100] =	vst v63  }
0x92: {  	_ =	swait.ge [sflag:s31], $0x2800  }
0x93: {  	[sflag:s31] =	ssyncset.done $0x0  }
0x94: {  	[sflag:s31] =	ssyncadd.s32 $0xFFFFD800  }
0x95: {  	_ =	swait.ge [sflag:s25], $0x50  }
0x96: {  	[sflag:s25] =	ssyncset.done $0x0  }
0x97: {  	[sflag:s25] =	ssyncadd.s32 $0xFFFFFFB0  }
0x98: {  	_ =	swait.ge [sflag:s26], $0x2800  }
0x99: {  	[sflag:s26] =	ssyncset.done $0x0  }
.Ltmp1:
0x9a: {  	s6 =	sadd.s32 s6, s21;
	[sflag:s26] =	ssyncadd.s32 $0xFFFFD800;
	(pc) =	sbr.rel @p0 .LBB2_4-.Ltmp1, $4  }
0x9b: {  	[tilespmem:s3], [sflag:$0x1] =	stream.linear.gather [hbm4b:s6+s3], $0x50, $0x38;
	[tilespmem:$0x19100] =	vst v63  }
0x9c: {  	_ = 	snop  }
0x9d: {  	[tilespmem:s23], [sflag:$0x2] =	stream.linear.gather [hbm4b:s5+s3], $0x2800, $0x38;
	[tilespmem:$0x19100] =	vst v63  }
0x9e: {  	s5 =	sadd.s32 $0xA00, s5  }
0x9f: {  	[spmem:s2] =	stream.indirect.scatter.add.f32 [tilespmem:s29], [sflag:$0x3], $0x80, s28, s30, $0xb8;
	[tilespmem:$0x19100] =	vst v63  }
0xa0: {  	_ =	swait.ge [sflag:s31], $0x2800  }
0xa1: {  	[sflag:s31] =	ssyncset.done $0x0  }
0xa2: {  	[sflag:s31] =	ssyncadd.s32 $0xFFFFD800  }
0xa3: {  	_ =	swait.ge [sflag:s25], $0x50  }
0xa4: {  	[sflag:s25] =	ssyncset.done $0x0  }
0xa5: {  	[sflag:s25] =	ssyncadd.s32 $0xFFFFFFB0  }
0xa6: {  	_ =	swait.ge [sflag:s26], $0x2800  }
0xa7: {  	[sflag:s26] =	ssyncset.done $0x0  }
0xa8: {  	[sflag:s26] =	ssyncadd.s32 $0xFFFFD800  }
0xa9: {  	[spmem:s2] =	stream.indirect.scatter.add.f32 [tilespmem:s23], [sflag:$0x3], $0x80, s3, s30, $0xb8;
	[tilespmem:$0x19100] =	vst v63  }
0xaa: {  	s0 =	stileid.u32;
	_ =	swait.ge [sflag:s31], $0x2800  }
0xab: {  	s5 =	sshrl.u32 s4, $0x3;
	s1 =	sadd.s32 $0x1, s1;
	[sflag:s31] =	ssyncset.done $0x0  }
0xac: {  	s0 =	sshll.u32 s0, $0x6;
	p0 =	sne.s32 s1, s15;
	[sflag:s31] =	ssyncadd.s32 $0xFFFFD800  }
.Ltmp2:
0xad: {  	s0 =	sor.u32 $0x1C04, s0;
	[bflag:$0x0] =	sbarrier.arrive $0xFFFF;
	(pc) =	sbr.rel @p0 .LBB2_1-.Ltmp2, $4  }
0xae: {  	[hbm:s14], [sflag:s0] =	dma.local [spmem:s5], $0x2800  }
0xaf: {  	_ =	swait.ge [sflag:s24], $0x2800  }
0xb0: {  	[sflag:s24] =	ssyncset.done $0x0  }
0xb1: {  	[sflag:s24] =	ssyncadd.s32 $0xFFFFD800  }
0xb2: {  	_ =	sfence.sel $0x180000  }
0xb3: {  	[bflag:$0x0] =	sbarrier.arrive $0xFFFF  }
0xb4: {  	_ =	strace $0x9000004A  }
0xb5: {  	s0 =	stileid.u32;
	[bflag:$0x2] =	sbarrier.arrive $0xFFFF  }
0xb6: {  	p0 =	sne.s32 s0, $0x0;
	s0 =	rddreg [dreg:$0x3]  }
0xb7: {  	s0 =	sadd.s32 @!p0 $0x100000, s0  }
0xb8: {  	[sflag:s0] =	ssyncadd.tile.s32 @!p0 $0x1;
	_ =	shalt  }
.Lfunc_end2:
_tile_overlayer_lowered:
.L_overlay_start_2:
0xb9: {  	(tag) =	ssettag $0x2  }
0xba: {  	s0 =	rddreg [dreg:$0x0];
	s2 =	stileid.u32  }
0xbb: {  	s1 =	rddreg [dreg:$0x1];
	p0 =	sne.s32 s2, $0x0  }
0xbc: {  	s3 =	rddreg [dreg:$0x2];
	[bflag:$0x3] =	sbarrier.arrive $0xFFFF;
	s2 =	simm.s32 @!p0 $0x1C04  }
0xbd: {  	[timem:s3], [sflag:s2] =	dma.local @!p0 [hbm:s0], s1  }
0xbe: {  	s0 =	simm.s32 @!p0 $0x4  }
0xbf: {  	_ =	swait.ge @!p0 [sflag:s0], s1  }
0xc0: {  	s1 =	ssub.s32 @!p0 $0x0, s1;
	[sflag:s0] =	ssyncset.done @!p0 $0x0  }
0xc1: {  	[sflag:s0] =	ssyncadd.s32 @!p0 s1  }
0xc2: {  	[bflag:$0x3] =	sbarrier.arrive $0xFFFF  }
0xc3: {  	_ =	shalt  }

// kernel: kernel.7.cloned.1.call-start
scs
__scs_entry_jumppad:
0x0: {  	(pc) =	sbr.rel $0x88, $3  }
0x1: {  	(tag) =	ssettag $0x0;
	lr =	simm.s32 $0x1  }
0x2: {  	[smem:$0x3F92] =	sst lr;
	_ =	strace $0xD0000000  }
0x3: {  	_ = 	snop  }
0x4: {  	_ = 	snop  }
0x5: {  	_ = 	snop  }
0x6: {  	_ = 	snop  }
0x7: {  	_ = 	snop  }
__scs_overlays_trampoline_lowered:
0x8: {  	[smem:$0x3FA1] =	sst s0  }
0x9: {  	[smem:$0x3FA2] =	sst s1  }
0xa: {  	[smem:$0x3FA3] =	sst s2  }
0xb: {  	[smem:$0x3FA4] =	sst s3  }
0xc: {  	[smem:$0x3FA5] =	sst s4  }
0xd: {  	[smem:$0x3FA6] =	sst s5  }
0xe: {  	[smem:$0x3FA7] =	sst s6  }
0xf: {  	[smem:$0x3FA8] =	sst s7  }
0x10: {  	[smem:$0x3FA9] =	sst s8  }
0x11: {  	[smem:$0x3FAA] =	sst s9;
	s0 =	simm.s32 @!p0 $0x0  }
0x12: {  	s1 =	sld [smem:$0x3F90];
	s0 =	simm.s32 @p0 $0x1  }
0x13: {  	[smem:$0x3FAB] =	sst s0;
	s0 =	simm.s32 @!p1 $0x0  }
0x14: {  	s2 =	sld [smem:$0x3F8F];
	s0 =	simm.s32 @p1 $0x1  }
0x15: {  	[smem:$0x3FAC] =	sst s0;
	s0 =	simm.s32 @!p2 $0x0  }
0x16: {  	s3 =	sld [smem:$0x3FDB];
	s0 =	simm.s32 @p2 $0x1  }
0x17: {  	s4 =	simm.s32 $0x1BF5;
	[smem:$0x3FAE] =	sst s0  }
0x18: {  	s0 =	sld [smem:$0x3F91];
	_ =	swait.ge [sflag:s4], $0x0  }
0x19: {  	s7 =	sld [smem:$0x3F92]  }
0x1a: {  	s8 =	sadd.s32 $0xFFFFE003, lr  }
0x1b: {  	s9 =	sadd.s32 $0xFFFFFEF7, lr;
	s5 =	simm.s32 $0xFFFFFFFF;
	p2 =	slt.u32 s8, $0xFFFFF086  }
0x1c: {  	p1 =	slt.u32 s9, $0xF7A;
	s5 =	simm.s32 @!p2 $0x0  }
0x1d: {  	s5 =	simm.s32 @p1 $0x1;
	p0 =	seq.s32 s7, s2  }
0x1e: {  	s7 =	smul.u32 @!p0 $0xF7A, s2;
	p2 =	seq.s32 @!p0 s5, $0x0  }
0x1f: {  	s9 =	smul.u32 $0xF7A, s1;
	s8 =	simm.s32 @!p0 $0x1BF5;
	p2 =	por !p2, p0  }
0x20: {  	[sflag:s8] =	ssyncset.s32 @!p0 $0xFFFFF086;
	s6 =	sadd.s32 @!p0 s3, s7;
	s7 =	simm.s32 @!p0 $0x108  }
0x21: {  	s3 =	sadd.s32 s3, s9;
	s6 =	sadd.s32 @!p0 $0x88, s6;
	s7 =	simm.s32 @p2 $0x1082  }
0x22: {  	[simem:s7], [sflag:s8] =	dma.local @!p0 [hbm:s6], $0xF7A  }
0x23: {  	s9 =	sor.u32 $0xD0000000, s2;
	s6 =	simm.s32 $0x108;
	_ =	swait.ge @!p0 [sflag:s8], $0x0  }
0x24: {  	s3 =	sadd.s32 $0x88, s3;
	s6 =	simm.s32 @!p1 $0x1082;
	[sflag:s4] =	ssyncset.s32 $0xFFFFF086  }
0x25: {  	[simem:s6], [sflag:s4] =	dma.local [hbm:s3], $0xF7A  }
0x26: {  	[smem:$0x3F92] =	sst s1;
	(tag) =	ssettag s2;
	_ =	strace s9  }
0x27: {  	s1 =	sld [smem:$0x3FA2]  }
0x28: {  	s2 =	sld [smem:$0x3FA3]  }
0x29: {  	s4 =	sld [smem:$0x3FA5]  }
0x2a: {  	p0 =	seq.s32 s5, $0x0;
	s5 =	sld [smem:$0x3FA6]  }
0x2b: {  	s6 =	sld [smem:$0x3FA7]  }
0x2c: {  	s7 =	sld [smem:$0x3FA8]  }
0x2d: {  	s3 =	simm.s32 $0x108;
	s8 =	sld [smem:$0x3FA9]  }
0x2e: {  	s3 =	simm.s32 @!p0 $0x1082;
	s9 =	sld [smem:$0x3FAA]  }
0x2f: {  	lr =	sadd.s32 s0, s3;
	s0 =	sld [smem:$0x3FA1]  }
0x30: {  	s3 =	sld [smem:$0x3FA4]  }
0x31: {  	[smem:$0x3FAD] =	sst s10  }
0x32: {  	s10 =	sld [smem:$0x3FAB];
	_ =	sdelay $0x3  }
0x33: {  	p0 =	seq.s32 s10, $0x1;
	s10 =	sld [smem:$0x3FAD];
	_ =	sdelay $0x3  }
0x34: {  	[smem:$0x3FAD] =	sst s10  }
0x35: {  	s10 =	sld [smem:$0x3FAC];
	_ =	sdelay $0x3  }
0x36: {  	p1 =	seq.s32 s10, $0x1;
	s10 =	sld [smem:$0x3FAD];
	_ =	sdelay $0x3  }
0x37: {  	[smem:$0x3FAD] =	sst s10  }
0x38: {  	s10 =	sld [smem:$0x3FAE]  }
0x39: {  	_ = 	snop;
	(pc) =	sbr.ind lr, $3  }
0x3a: {  	_ = 	snop  }
0x3b: {  	_ = 	snop  }
0x3c: {  	p2 =	seq.s32 s10, $0x1;
	s10 =	sld [smem:$0x3FAD]  }
0x3d: {  	_ =	shalt  }
0x3e: {  	_ =	shalt  }
0x3f: {  	_ =	shalt  }
0x40: {  	_ =	shalt  }
0x41: {  	_ =	shalt  }
0x42: {  	_ =	shalt  }
0x43: {  	_ =	shalt  }
0x44: {  	_ =	shalt  }
0x45: {  	_ =	shalt  }
0x46: {  	_ =	shalt  }
0x47: {  	_ =	shalt  }
0x48: {  	_ =	shalt  }
0x49: {  	_ =	shalt  }
0x4a: {  	_ =	shalt  }
0x4b: {  	_ =	shalt  }
0x4c: {  	_ =	shalt  }
0x4d: {  	_ =	shalt  }
0x4e: {  	_ =	shalt  }
0x4f: {  	_ =	shalt  }
0x50: {  	_ =	shalt  }
0x51: {  	_ =	shalt  }
0x52: {  	_ =	shalt  }
0x53: {  	_ =	shalt  }
0x54: {  	_ =	shalt  }
0x55: {  	_ =	shalt  }
0x56: {  	_ =	shalt  }
0x57: {  	_ =	shalt  }
0x58: {  	_ =	shalt  }
0x59: {  	_ =	shalt  }
0x5a: {  	_ =	shalt  }
0x5b: {  	_ =	shalt  }
0x5c: {  	_ =	shalt  }
0x5d: {  	_ =	shalt  }
0x5e: {  	_ =	shalt  }
0x5f: {  	_ =	shalt  }
0x60: {  	_ =	shalt  }
0x61: {  	_ =	shalt  }
0x62: {  	_ =	shalt  }
0x63: {  	_ =	shalt  }
0x64: {  	_ =	shalt  }
0x65: {  	_ =	shalt  }
0x66: {  	_ =	shalt  }
0x67: {  	_ =	shalt  }
0x68: {  	_ =	shalt  }
0x69: {  	_ =	shalt  }
0x6a: {  	_ =	shalt  }
0x6b: {  	_ =	shalt  }
0x6c: {  	_ =	shalt  }
0x6d: {  	_ =	shalt  }
0x6e: {  	_ =	shalt  }
0x6f: {  	_ =	shalt  }
0x70: {  	_ =	shalt  }
0x71: {  	_ =	shalt  }
0x72: {  	_ =	shalt  }
0x73: {  	_ =	shalt  }
0x74: {  	_ =	shalt  }
0x75: {  	_ =	shalt  }
0x76: {  	_ =	shalt  }
0x77: {  	_ =	shalt  }
0x78: {  	_ =	shalt  }
0x79: {  	_ =	shalt  }
0x7a: {  	_ =	shalt  }
0x7b: {  	_ =	shalt  }
0x7c: {  	_ =	shalt  }
0x7d: {  	_ =	shalt  }
0x7e: {  	_ =	shalt  }
0x7f: {  	_ =	shalt  }
0x80: {  	_ =	shalt  }
0x81: {  	_ =	shalt  }
0x82: {  	_ =	shalt  }
0x83: {  	_ =	shalt  }
0x84: {  	_ =	shalt  }
0x85: {  	_ =	shalt  }
0x86: {  	_ =	shalt  }
0x87: {  	_ =	shalt  }
.Lfunc_end0:
.L_simem_size_0:
called_computation_lowered:
.L_overlay_start_0:
0x88: {  	s2 =	sld [smem:$0x3FD9]  }
0x89: {  	s3 =	sld [smem:$0x3FFE];
	_ =	sdelay $0x1  }
0x8a: {  	s1 =	srdreg.scid  }
0x8b: {  	s0 =	sand.u32 $0x1, s1  }
0x8c: {  	s17 =	sshll.u32 s0, $0xA;
	s2 =	sadd.s32 s3, s2  }
0x8d: {  	s2 =	sadd.s32 s2, s17  }
0x8e: {  	[smem:$0x3FB9] =	sst s2  }
0x8f: {  	_ = 	snop  }
0x90: {  	s2 =	sld [smem:$0x3FD0];
	(tm) =	ssettm $0x1  }
0x91: {  	s18 =	sld [smem:$0x3FFB];
	_ =	sdelay $0x3  }
0x92: {  	_ =	strace s18  }
0x93: {  	s3 =	sld [smem:$0x3FFC];
	_ =	sdelay $0x3  }
0x94: {  	_ =	strace s3  }
0x95: {  	s3 =	sld [smem:$0x3FFD];
	_ =	sdelay $0x3  }
0x96: {  	_ =	strace s3  }
0x97: {  	_ =	strace $0x8FFFFFFF  }
0x98: {  	s19 =	sld [smem:$0x3FDB];
	_ =	sdelay $0x1  }
0x99: {  	s4 =	simm.s32 $_scs_section_size  }
0x9a: {  	s5 =	simm.s32 $_size__tile_overlayer_lowered;
	s6 =	simm.s32 $_tile_overlayer_lowered  }
0x9b: {  	s22 =	simm.s32 $0x1BFF;
	s21 =	sshll.u32 s6, $0x1;
	s3 =	sadd.s32 s4, s19  }
0x9c: {  	s7 =	simm.s32 $0x0;
	s20 =	sshll.u32 s5, $0x1;
	s5 =	sadd.s32 s21, s3  }
0x9d: {  	[timem:s7], [sflag:s22] =	dma.local [hbm:s5], s20  }
0x9e: {  	_ =	swait.ge [sflag:s22], s20  }
0x9f: {  	s4 =	ssub.s32 $0x0, s20;
	[sflag:s22] =	ssyncset.done $0x0  }
0xa0: {  	[sflag:s22] =	ssyncadd.s32 s4;
	_ =	sdelay $0x1  }
0xa1: {  	s23 =	simm.s32 $0x1B8B  }
0xa2: {  	_ =	swait.ge [sflag:s23], $0x1  }
0xa3: {  	[sflag:s23] =	ssyncset.done $0x0  }
0xa4: {  	s25 =	simm.s32 $0x1B8E;
	s24 =	sld [smem:$0x3FFE];
	[sflag:s23] =	ssyncadd.s32 $0xFFFFFFFF  }
0xa5: {  	s26 =	simm.s32 $execute0_lowered;
	[smem:$0x3FD2] =	sst s25  }
0xa6: {  	s5 =	sshll.u32 s26, $0x1;
	_ =	strace $0x80000046;
	[dreg:$0x1] =	wrdreg $0xFFFFFFFF  }
0xa7: {  	s28 =	simm.s32 $_size_execute0_lowered;
	s3 =	sadd.s32 s3, s5;
	[dreg:$0x0] =	wrdreg $0x0  }
0xa8: {  	s5 =	sshll.u32 s28, $0x1;
	[dreg:$0x2] =	wrdreg s3  }
0xa9: {  	[dreg:$0x3] =	wrdreg s5  }
0xaa: {  	[dreg:$0x4] =	wrdreg $0xC0  }
0xab: {  	_ =	task [dreg:s7], $0x5FFFF  }
0xac: {  	[dreg:$0x1] =	wrdreg $0xFFFFFFFF  }
0xad: {  	[dreg:$0x0] =	wrdreg $0x60  }
0xae: {  	[dreg:$0x2] =	wrdreg s24  }
0xaf: {  	[dreg:$0x3] =	wrdreg s2  }
0xb0: {  	[dreg:$0x4] =	wrdreg $0xA2000  }
0xb1: {  	[dreg:$0x5] =	wrdreg $0x9  }
0xb2: {  	_ =	task.clear_ibuf [dreg:s7], $0x6FFFF;
	_ =	strace $0x90000046  }
0xb3: {  	s29 =	simm.s32 $0x9;
	_ =	strace $0x80000048  }
0xb4: {  	_ =	swait.ge [sflag:s29], $0x1  }
0xb5: {  	[sflag:s29] =	ssyncadd.s32 $0xFFFFFFFF  }
0xb6: {  	_ =	strace $0x90000048  }
0xb7: {  	_ =	sfence  }
0xb8: {  	s30 =	sld [smem:$0x0];
	_ =	sdelay $0x2  }
0xb9: {  	s31 =	sshll.u32 s1, $0xD;
	s1 =	sshrl.u32 s1, $0x2  }
0xba: {  	s3 =	sand.u32 $0x4000, s31;
	s1 =	sadd.s32 s1, s30  }
0xbb: {  	s0 =	sor.u32 s3, s0;
	s1 =	sshll.u32 s1, $0x11  }
0xbc: {  	s0 =	sor.u32 s1, s0  }
0xbd: {  	s0 =	sadd.s32 $0x8F2B, s0  }
0xbe: {  	[sflag:s0] =	ssyncadd.remote.s32 $0x1  }
0xbf: {  	_ =	sfence.sel $0xFFFF  }
0xc0: {  	[dreg:$0x0] =	wrdreg $0xFFFFFFFF;
	(pc) =	sbr.abs _section_cstart, $3  }
0xc1: {  	[dreg:$0x1] =	wrdreg $0xFFFFFFFF  }
0xc2: {  	_ =	task.clear_ibuf [dreg:s7], $0x2FFFF;
	_ =	strace $0x9FFFFFFF  }
0xc3: {  	(tm) =	ssettm $0x7FFFFFFF  }
tec
execute0_lowered:
.L_overlay_start_1:
0x0: {  	(tag) =	ssettag $0x1  }
0x1: {  	s0 =	rddreg [dreg:$0x0]  }
0x2: {  	s4 =	rddreg [dreg:$0x1]  }
0x3: {  	s2 =	rddreg [dreg:$0x2];
	s3 =	simm.s32 $0x0;
	s1 =	stileid.u32  }
0x4: {  	s12 =	srdreg.scid;
	s28 =	simm.s32 $0x80;
	s29 =	simm.s32 $0x180  }
0x5: {  	s30 =	simm.s32 $0x50;
	s31 =	simm.s32 $0x200;
	s5 =	smul.u32 $0x2800, s1  }
0x6: {  	[smem:$0x7FF] =	sst s3;
	s7 =	sadd.s32 $0x2600, s0;
	s9 =	smul.u32 $0x4E200, s1  }
0x7: {  	s6 =	sadd.s32 $0xCA00, s0;
	s11 =	sadd.s32 $0xC400, s0;
	s12 =	sand.u32 $0x1, s12  }
0x8: {  	s13 =	smul.u32 $0x50000, s1;
	_ =	strace $0x80000047;
	[dreg:$0x4] =	wrdreg s6  }
0x9: {  	s14 =	sadd.s32 $0x548E00, s0;
	s16 =	smul.u32 $0x9C4, s1;
	[dreg:$0x5] =	wrdreg s11  }
0xa: {  	s8 =	ssub.s32 $0x2, s12;
	p0 =	seq.s32 s12, $0x0;
	s12 =	simm.s32 $0x0  }
0xb: {  	s5 =	sadd.s32 s5, s0;
	s10 =	sadd.s32 s9, s0;
	s11 =	sshrl.u32 s8, $0x1  }
0xc: {  	s6 =	sshrl.u32 s13, $0x2;
	s13 =	smul.u32 $0x4E20, s1;
	s0 =	sadd.s32 s16, s0  }
0xd: {  	s11 =	ssub.s32 s8, s11;
	s15 =	sadd.s32 s6, s2;
	s17 =	sadd.s32 $0x35000, s5  }
0xe: {  	s18 =	sadd.s32 $0xD000, s5;
	s26 =	sadd.s32 $0x67300, s10;
	[dreg:$0x6] =	wrdreg s15  }
0xf: {  	s5 =	simm.s32 $0x2A00;
	s10 =	simm.s32 $0x4;
	[dreg:$0x7] =	wrdreg s17  }
0x10: {  	s15 =	sshrl.u32 s13, $0x3;
	s17 =	sadd.s32 $0x50, s13;
	[dreg:$0x8] =	wrdreg s18  }
0x11: {  	s11 =	smax.u32 s11, $0x1;
	s13 =	sadd.s32 s14, s9;
	[dreg:$0xe] =	wrdreg s26  }
0x12: {  	s26 =	simm.s32 $0x1;
	s9 =	simm.s32 $0x3;
	s8 =	sadd.s32 s4, s15  }
0x13: {  	s19 =	sshrl.u32 s17, $0x3;
	s20 =	sadd.s32 s7, s15;
	s23 =	sshll.u32 s17, $0x4  }
0x14: {  	s25 =	sadd.s32 $0x4D800, s13;
	s17 =	sadd.s32 s16, s4;
	[dreg:$0x9] =	wrdreg s20  }
0x15: {  	s21 =	sadd.s32 s4, s19;
	s22 =	sadd.s32 $0x14, s8;
	s24 =	sadd.s32 s14, s23  }
.Ltmp0:
0x16: {  	[dreg:$0xd] =	wrdreg s25;
	s18 =	sadd.s32 $0x1E, s17;
	(pc) =	sbr.rel .LBB2_1-.Ltmp0, $4  }
0x17: {  	s20 =	sadd.s32 $0x5D000, s0;
	s23 =	simm.s32 $0x5300;
	[dreg:$0xa] =	wrdreg s21  }
0x18: {  	s25 =	simm.s32 $0x100;
	s0 =	simm.s32 $0x2;
	[dreg:$0xb] =	wrdreg s22  }
0x19: {  	s4 =	simm.s32 $0x5200;
	[dreg:$0xc] =	wrdreg s24;
	s21 =	sadd.s32 s16, s7  }
0x1a: {  	s22 =	simm.s32 $0x5;
	s24 =	simm.s32 $0x7A80;
	s7 =	simm.s32 $0x5280  }
.LBB2_4:
0x1b: {  	[hbm4b:s19+s3] =	stream.linear.scatter [tilespmem:s5], [sflag:$0x3], $0x2800, $0x38;
	[tilespmem:$0x1E200] =	vst v63  }
0x1c: {  	_ =	swait.ge [sflag:s26], $0x50  }
0x1d: {  	[sflag:s26] =	ssyncset.done $0x0  }
0x1e: {  	[sflag:s26] =	ssyncadd.s32 $0xFFFFFFB0  }
0x1f: {  	[tilespmem:s29], [sflag:$0x1] =	stream.linear.gather [hbm4b:s16+s3], $0x50, $0x38;
	[tilespmem:$0x1E200] =	vst v63  }
0x20: {  	_ =	swait.ge [sflag:s9], $0x2800  }
0x21: {  	[sflag:s9] =	ssyncset.done $0x0  }
0x22: {  	[sflag:s9] =	ssyncadd.s32 $0xFFFFD800  }
0x23: {  	[tilespmem:s31], [sflag:$0x2] =	stream.indirect.gather [spmem:s2], $0x80, s25, s30, $0xb8;
	[tilespmem:$0x1E200] =	vst v63  }
0x24: {  	_ =	swait.ge [sflag:s0], $0x2800  }
0x25: {  	[sflag:s0] =	ssyncset.done $0x0  }
0x26: {  	s1 =	rddreg [dreg:$0xd];
	[sflag:s0] =	ssyncadd.s32 $0xFFFFD800  }
0x27: {  	[hbm4b:s1+s3] =	stream.linear.scatter [tilespmem:s31], [sflag:$0x3], $0x2800, $0x38;
	[tilespmem:$0x1E200] =	vst v63  }
0x28: {  	_ =	swait.ge [sflag:s26], $0x50  }
0x29: {  	[sflag:s26] =	ssyncset.done $0x0  }
0x2a: {  	[sflag:s26] =	ssyncadd.s32 $0xFFFFFFB0  }
0x2b: {  	_ =	swait.ge [sflag:s9], $0x2800  }
0x2c: {  	[sflag:s9] =	ssyncset.done $0x0  }
0x2d: {  	[sflag:s9] =	ssyncadd.s32 $0xFFFFD800  }
0x2e: {  	[tilespmem:s5], [sflag:$0x2] =	stream.indirect.gather [spmem:s2], $0x80, s29, s30, $0xb8;
	[tilespmem:$0x1E200] =	vst v63  }
0x2f: {  	_ =	swait.ge [sflag:s0], $0x2800  }
0x30: {  	s19 =	sadd.s32 s14, s13;
	[sflag:s0] =	ssyncset.done $0x0  }
0x31: {  	s1 =	sadd.s32 $0xF00, s19;
	[sflag:s0] =	ssyncadd.s32 $0xFFFFD800  }
0x32: {  	[hbm4b:s1+s3] =	stream.linear.scatter [tilespmem:s5], [sflag:$0x3], $0x2800, $0x38;
	[tilespmem:$0x1E200] =	vst v63  }
0x33: {  	_ =	swait.ge [sflag:s9], $0x2800  }
0x34: {  	[sflag:s9] =	ssyncset.done $0x0  }
0x35: {  	[sflag:s9] =	ssyncadd.s32 $0xFFFFD800  }
0x36: {  	_ =	swait.ge [sflag:s9], $0x2800  }
0x37: {  	[sflag:s9] =	ssyncset.done $0x0  }
0x38: {  	[sflag:s9] =	ssyncadd.s32 $0xFFFFD800  }
.LBB2_8:
0x39: {  	s12 =	sadd.s32 $0x1, s12  }
0x3a: {  	p1 =	sne.s32 s12, s11  }
.Ltmp1:
0x3b: {  	_ = 	snop;
	(pc) =	sbr.rel @!p1 .LBB2_9-.Ltmp1, $1  }
0x3c: {  	_ =	sdelay $0x3  }
.LBB2_1:
.Ltmp2:
0x3d: {  	(pc) =	sbr.rel @!p0 .LBB2_2-.Ltmp2, $4  }
0x3e: {  	_ = 	snop  }
0x3f: {  	s1 =	stileid.u32  }
0x40: {  	s19 =	rddreg [dreg:$0x6];
	s16 =	sshll.u32 s1, $0x6  }
0x41: {  	s14 =	sshrl.u32 s19, $0x3;
	s16 =	sor.u32 $0x1C05, s16  }
0x42: {  	s1 =	rddreg [dreg:$0x8]  }
0x43: {  	[spmem:s14], [sflag:s16] =	dma.local [hbm:s1], $0x2800  }
0x44: {  	_ =	swait.ge [sflag:s22], $0x2800  }
0x45: {  	[sflag:s22] =	ssyncset.done $0x0  }
0x46: {  	s14 =	simm.s32 $0x0;
	s15 =	rddreg [dreg:$0x4];
	[sflag:s22] =	ssyncadd.s32 $0xFFFFD800  }
0x47: {  	[tilespmem:s23], [sflag:$0x5] =	stream.linear.gather [hbm4b:s15+s14], $0x2780, $0x38;
	[tilespmem:$0x1E200] =	vst v63  }
0x48: {  	_ =	swait.ge [sflag:s22], $0x2780  }
0x49: {  	[sflag:s22] =	ssyncset.done $0x0  }
0x4a: {  	s16 =	rddreg [dreg:$0x5];
	[sflag:s22] =	ssyncadd.s32 $0xFFFFD880  }
0x4b: {  	[tilespmem:s24], [sflag:$0x5] =	stream.linear.gather [hbm4b:s16+s14], $0x2780, $0x38;
	[tilespmem:$0x1E200] =	vst v63  }
0x4c: {  	_ =	swait.ge [sflag:s22], $0x2780  }
0x4d: {  	[sflag:s22] =	ssyncset.done $0x0  }
0x4e: {  	[sflag:s22] =	ssyncadd.s32 $0xFFFFD880  }
0x4f: {  	[bflag:$0x0] =	sbarrier.arrive $0xFFFF  }
0x50: {  	s19 =	rddreg [dreg:$0x9]  }
0x51: {  	[tilespmem:s14], [sflag:$0x1] =	stream.linear.gather [hbm4b:s19+s14], $0x50, $0x38;
	[tilespmem:$0x1E200] =	vst v63  }
0x52: {  	s19 =	rddreg [dreg:$0xe]  }
0x53: {  	[tilespmem:s25], [sflag:$0x1] =	stream.linear.gather [hbm4b:s8+s14], $0x50, $0x38;
	[tilespmem:$0x1E200] =	vst v63  }
.LBB2_6:
0x54: {  	_ =	swait.ge [sflag:s26], $0x50  }
0x55: {  	[sflag:s26] =	ssyncset.done $0x0  }
0x56: {  	[sflag:s26] =	ssyncadd.s32 $0xFFFFFFB0  }
0x57: {  	_ =	swait.ge [sflag:s26], $0x50  }
0x58: {  	s16 =	sadd.s32 s14, s21;
	[sflag:s26] =	ssyncset.done $0x0  }
0x59: {  	s6 =	sadd.s32 s14, s17;
	s16 =	sadd.s32 $0xA, s16;
	[sflag:s26] =	ssyncadd.s32 $0xFFFFFFB0  }
0x5a: {  	[tilespmem:s28], [sflag:$0x1] =	stream.linear.gather [hbm4b:s16+s3], $0x50, $0x38;
	[tilespmem:$0x1E200] =	vst v63  }
0x5b: {  	p1 =	seq.s32 s14, $0x0;
	s16 =	sadd.s32 $0xA, s6  }
0x5c: {  	[tilespmem:s29], [sflag:$0x1] =	stream.linear.gather [hbm4b:s16+s3], $0x50, $0x38;
	[tilespmem:$0x1E200] =	vst v63  }
0x5d: {  	s16 =	simm.s32 @!p1 $0x3  }
0x5e: {  	_ =	swait.ge @!p1 [sflag:s16], $0x2800  }
0x5f: {  	[sflag:s16] =	ssyncset.done @!p1 $0x0  }
0x60: {  	[sflag:s16] =	ssyncadd.s32 @!p1 $0xFFFFD800;
	s16 =	simm.s32 @!p1 $0x4  }
0x61: {  	_ =	swait.ge @!p1 [sflag:s16], $0x50  }
0x62: {  	[sflag:s16] =	ssyncset.done @!p1 $0x0  }
0x63: {  	[sflag:s16] =	ssyncadd.s32 @!p1 $0xFFFFFFB0  }
0x64: {  	[tilespmem:s31], [sflag:$0x2] =	stream.indirect.gather [spmem:s2], $0x80, s3, s30, $0xb8;
	[tilespmem:$0x1E200] =	vst v63  }
0x65: {  	v0 =	vld [tilespmem:$0x0]  }
0x66: {  	v1 =	vld [tilespmem:$0x100];
	_ =	sdelay $0x6  }
0x67: {  	v2 =	vld.idx.msk [tilespmem:v0+s23+$0x0], $0xffff  }
0x68: {  	v3 =	vld.idx.msk [tilespmem:v1+s23+$0x0], $0xffff  }
0x69: {  	v0 =	vld.idx.msk [tilespmem:v0+s24+$0x0], $0xffff  }
0x6a: {  	v1 =	vld.idx.msk [tilespmem:v1+s24+$0x0], $0xffff;
	_ =	sdelay $0x3  }
0x6b: {  	v4 =	vld [tilespmem:$0x10]  }
0x6c: {  	v23 =	vld [tilespmem:$0x110];
	v2 =	vsub.f32 v2, v3;
	v0 =	vsub.f32 v0, v1;
	_ =	sdelay $0x1  }
0x6d: {  	v2 =	vmul.f32 v2, v2;
	v0 =	vmul.f32 v0, v0;
	_ =	sdelay $0x1  }
0x6e: {  	v0 =	vadd.f32 v0, v2;
	_ =	sdelay $0x1  }
0x6f: {  	[tilespmem:$0x5200] =	vst v0  }
0x70: {  	v0 =	vld.idx.msk [tilespmem:v4+s23+$0x0], $0xffff  }
0x71: {  	v24 =	vld.idx.msk [tilespmem:v23+s23+$0x0], $0xffff  }
0x72: {  	v25 =	vld.idx.msk [tilespmem:v4+s24+$0x0], $0xffff  }
0x73: {  	v1 =	vld.idx.msk [tilespmem:v23+s24+$0x0], $0xffff;
	_ =	sdelay $0x3  }
0x74: {  	v26 =	vld [tilespmem:$0x20]  }
0x75: {  	v27 =	vld [tilespmem:$0x120];
	v0 =	vsub.f32 v0, v24;
	v1 =	vsub.f32 v25, v1;
	_ =	sdelay $0x1  }
0x76: {  	v0 =	vmul.f32 v0, v0;
	v1 =	vmul.f32 v1, v1;
	_ =	sdelay $0x1  }
0x77: {  	v0 =	vadd.f32 v1, v0;
	_ =	sdelay $0x1  }
0x78: {  	[tilespmem:$0x5210] =	vst v0  }
0x79: {  	v0 =	vld.idx.msk [tilespmem:v26+s23+$0x0], $0xffff  }
0x7a: {  	v28 =	vld.idx.msk [tilespmem:v27+s23+$0x0], $0xffff  }
0x7b: {  	v29 =	vld.idx.msk [tilespmem:v26+s24+$0x0], $0xffff  }
0x7c: {  	v2 =	vld.idx.msk [tilespmem:v27+s24+$0x0], $0xffff;
	_ =	sdelay $0x3  }
0x7d: {  	v30 =	vld [tilespmem:$0x30]  }
0x7e: {  	v32 =	vld [tilespmem:$0x130];
	v0 =	vsub.f32 v0, v28;
	v31 =	vsub.f32 v29, v2;
	_ =	sdelay $0x1  }
0x7f: {  	v0 =	vmul.f32 v0, v0;
	v1 =	vmul.f32 v31, v31;
	_ =	sdelay $0x1  }
0x80: {  	v0 =	vadd.f32 v1, v0;
	_ =	sdelay $0x1  }
0x81: {  	[tilespmem:$0x5220] =	vst v0  }
0x82: {  	v0 =	vld.idx.msk [tilespmem:v30+s23+$0x0], $0xffff  }
0x83: {  	v33 =	vld.idx.msk [tilespmem:v32+s23+$0x0], $0xffff  }
0x84: {  	v34 =	vld.idx.msk [tilespmem:v30+s24+$0x0], $0xffff  }
0x85: {  	v2 =	vld.idx.msk [tilespmem:v32+s24+$0x0], $0xffff;
	_ =	sdelay $0x3  }
0x86: {  	v35 =	vld [tilespmem:$0x40]  }
0x87: {  	v37 =	vld [tilespmem:$0x140];
	v0 =	vsub.f32 v0, v33;
	v36 =	vsub.f32 v34, v2;
	_ =	sdelay $0x1  }
0x88: {  	v0 =	vmul.f32 v0, v0;
	v1 =	vmul.f32 v36, v36;
	_ =	sdelay $0x1  }
0x89: {  	v0 =	vadd.f32 v1, v0;
	_ =	sdelay $0x1  }
0x8a: {  	[tilespmem:$0x5230] =	vst v0  }
0x8b: {  	v0 =	vld.idx.msk [tilespmem:v35+s23+$0x0], $0xffff  }
0x8c: {  	v38 =	vld.idx.msk [tilespmem:v37+s23+$0x0], $0xffff  }
0x8d: {  	v39 =	vld.idx.msk [tilespmem:v35+s24+$0x0], $0xffff  }
0x8e: {  	v2 =	vld.idx.msk [tilespmem:v37+s24+$0x0], $0xffff;
	_ =	sdelay $0x4  }
0x8f: {  	v0 =	vsub.f32 v0, v38;
	v40 =	vsub.f32 v39, v2;
	_ =	sdelay $0x1  }
0x90: {  	v0 =	vmul.f32 v0, v0;
	v1 =	vmul.f32 v40, v40;
	_ =	sdelay $0x1  }
0x91: {  	v0 =	vadd.f32 v1, v0;
	_ =	sdelay $0x1  }
0x92: {  	[tilespmem:$0x5240] =	vst v0  }
0x93: {  	_ =	swait.ge [sflag:s0], $0x2800  }
0x94: {  	[sflag:s0] =	ssyncset.done $0x0  }
0x95: {  	s15 =	sadd.s32 $0xFFFFFB00, s19;
	[sflag:s0] =	ssyncadd.s32 $0xFFFFD800  }
0x96: {  	[hbm4b:s15+s3] =	stream.linear.scatter [tilespmem:s31], [sflag:$0x3], $0x2800, $0x38;
	[tilespmem:$0x1E200] =	vst v63  }
0x97: {  	s16 =	sadd.s32 s14, s20  }
0x98: {  	[hbm4b:s16+s3] =	stream.linear.scatter [tilespmem:s4], [sflag:$0x4], $0x50, $0x38;
	[tilespmem:$0x1E200] =	vst v63  }
0x99: {  	_ =	swait.ge [sflag:s26], $0x50  }
0x9a: {  	[sflag:s26] =	ssyncset.done $0x0  }
0x9b: {  	[sflag:s26] =	ssyncadd.s32 $0xFFFFFFB0  }
0x9c: {  	p1 =	seq.s32 s14, $0x9B0;
	_ =	swait.ge [sflag:s26], $0x50  }
0x9d: {  	s15 =	sadd.s32 @!p1 s14, s21;
	[sflag:s26] =	ssyncset.done $0x0  }
0x9e: {  	s1 =	simm.s32 @!p1 $0x0;
	s15 =	sadd.s32 @!p1 $0x14, s15;
	[sflag:s26] =	ssyncadd.s32 $0xFFFFFFB0  }
0x9f: {  	[tilespmem:s1], [sflag:$0x1] =	stream.linear.gather @!p1 [hbm4b:s15+s1], $0x50, $0x38;
	[tilespmem:$0x1E200] =	vst v63  }
0xa0: {  	s15 =	sadd.s32 @!p1 s14, s17  }
0xa1: {  	p2 =	seq.s32 @!p1 s14, $0x0;
	s6 =	simm.s32 @!p1 $0x100;
	s15 =	sadd.s32 @!p1 $0x14, s15  }
0xa2: {  	[tilespmem:s6], [sflag:$0x1] =	stream.linear.gather @!p1 [hbm4b:s15+s1], $0x50, $0x38;
	[tilespmem:$0x1E200] =	vst v63  }
0xa3: {  	p1 =	por p1, !p2  }
0xa4: {  	_ =	swait.ge @p1 [sflag:s9], $0x2800  }
0xa5: {  	[sflag:s9] =	ssyncset.done @p1 $0x0  }
0xa6: {  	[sflag:s9] =	ssyncadd.s32 @p1 $0xFFFFD800  }
0xa7: {  	_ =	swait.ge @p1 [sflag:s10], $0x50  }
0xa8: {  	[sflag:s10] =	ssyncset.done @p1 $0x0  }
0xa9: {  	[sflag:s10] =	ssyncadd.s32 @p1 $0xFFFFFFB0  }
0xaa: {  	[tilespmem:s5], [sflag:$0x2] =	stream.indirect.gather [spmem:s2], $0x80, s28, s30, $0xb8;
	[tilespmem:$0x1E200] =	vst v63  }
0xab: {  	v41 =	vld [tilespmem:$0x80]  }
0xac: {  	v42 =	vld [tilespmem:$0x180];
	_ =	sdelay $0x6  }
0xad: {  	v43 =	vld.idx.msk [tilespmem:v41+s23+$0x0], $0xffff  }
0xae: {  	v44 =	vld.idx.msk [tilespmem:v42+s23+$0x0], $0xffff  }
0xaf: {  	v0 =	vld.idx.msk [tilespmem:v41+s24+$0x0], $0xffff  }
0xb0: {  	v1 =	vld.idx.msk [tilespmem:v42+s24+$0x0], $0xffff;
	_ =	sdelay $0x3  }
0xb1: {  	v45 =	vld [tilespmem:$0x90]  }
0xb2: {  	v46 =	vld [tilespmem:$0x190];
	v2 =	vsub.f32 v43, v44;
	v0 =	vsub.f32 v0, v1;
	_ =	sdelay $0x1  }
0xb3: {  	v2 =	vmul.f32 v2, v2;
	v0 =	vmul.f32 v0, v0;
	_ =	sdelay $0x1  }
0xb4: {  	v0 =	vadd.f32 v0, v2;
	_ =	sdelay $0x1  }
0xb5: {  	[tilespmem:$0x5280] =	vst v0  }
0xb6: {  	v0 =	vld.idx.msk [tilespmem:v45+s23+$0x0], $0xffff  }
0xb7: {  	v47 =	vld.idx.msk [tilespmem:v46+s23+$0x0], $0xffff  }
0xb8: {  	v48 =	vld.idx.msk [tilespmem:v45+s24+$0x0], $0xffff  }
0xb9: {  	v1 =	vld.idx.msk [tilespmem:v46+s24+$0x0], $0xffff;
	_ =	sdelay $0x3  }
0xba: {  	v49 =	vld [tilespmem:$0xA0]  }
0xbb: {  	v50 =	vld [tilespmem:$0x1A0];
	v0 =	vsub.f32 v0, v47;
	v1 =	vsub.f32 v48, v1;
	_ =	sdelay $0x1  }
0xbc: {  	v0 =	vmul.f32 v0, v0;
	v1 =	vmul.f32 v1, v1;
	_ =	sdelay $0x1  }
0xbd: {  	v0 =	vadd.f32 v1, v0;
	_ =	sdelay $0x1  }
0xbe: {  	[tilespmem:$0x5290] =	vst v0  }
0xbf: {  	v0 =	vld.idx.msk [tilespmem:v49+s23+$0x0], $0xffff  }
0xc0: {  	v51 =	vld.idx.msk [tilespmem:v50+s23+$0x0], $0xffff  }
0xc1: {  	v52 =	vld.idx.msk [tilespmem:v49+s24+$0x0], $0xffff  }
0xc2: {  	v2 =	vld.idx.msk [tilespmem:v50+s24+$0x0], $0xffff;
	_ =	sdelay $0x3  }
0xc3: {  	v53 =	vld [tilespmem:$0xB0]  }
0xc4: {  	v55 =	vld [tilespmem:$0x1B0];
	v0 =	vsub.f32 v0, v51;
	v54 =	vsub.f32 v52, v2;
	_ =	sdelay $0x1  }
0xc5: {  	v0 =	vmul.f32 v0, v0;
	v1 =	vmul.f32 v54, v54;
	_ =	sdelay $0x1  }
0xc6: {  	v0 =	vadd.f32 v1, v0;
	_ =	sdelay $0x1  }
0xc7: {  	[tilespmem:$0x52A0] =	vst v0  }
0xc8: {  	v0 =	vld.idx.msk [tilespmem:v53+s23+$0x0], $0xffff  }
0xc9: {  	v56 =	vld.idx.msk [tilespmem:v55+s23+$0x0], $0xffff  }
0xca: {  	v57 =	vld.idx.msk [tilespmem:v53+s24+$0x0], $0xffff  }
0xcb: {  	v2 =	vld.idx.msk [tilespmem:v55+s24+$0x0], $0xffff;
	_ =	sdelay $0x3  }
0xcc: {  	v58 =	vld [tilespmem:$0xC0]  }
0xcd: {  	v60 =	vld [tilespmem:$0x1C0];
	v0 =	vsub.f32 v0, v56;
	v59 =	vsub.f32 v57, v2;
	_ =	sdelay $0x1  }
0xce: {  	v0 =	vmul.f32 v0, v0;
	v1 =	vmul.f32 v59, v59;
	_ =	sdelay $0x1  }
0xcf: {  	v0 =	vadd.f32 v1, v0;
	_ =	sdelay $0x1  }
0xd0: {  	[tilespmem:$0x52B0] =	vst v0  }
0xd1: {  	v0 =	vld.idx.msk [tilespmem:v58+s23+$0x0], $0xffff  }
0xd2: {  	v61 =	vld.idx.msk [tilespmem:v60+s23+$0x0], $0xffff  }
0xd3: {  	v62 =	vld.idx.msk [tilespmem:v58+s24+$0x0], $0xffff  }
0xd4: {  	v2 =	vld.idx.msk [tilespmem:v60+s24+$0x0], $0xffff;
	_ =	sdelay $0x4  }
0xd5: {  	v0 =	vsub.f32 v0, v61;
	v63 =	vsub.f32 v62, v2;
	_ =	sdelay $0x1  }
0xd6: {  	v0 =	vmul.f32 v0, v0;
	v1 =	vmul.f32 v63, v63;
	_ =	sdelay $0x1  }
0xd7: {  	v0 =	vadd.f32 v1, v0;
	_ =	sdelay $0x1  }
0xd8: {  	s14 =	sadd.s32 $0x14, s14;
	[tilespmem:$0x52C0] =	vst v0  }
0xd9: {  	p1 =	sne.s32 s14, $0x9C4;
	_ =	swait.ge [sflag:s0], $0x2800  }
.Ltmp3:
0xda: {  	[sflag:s0] =	ssyncset.done $0x0;
	(pc) =	sbr.rel @p1 .LBB2_6-.Ltmp3, $4  }
0xdb: {  	[sflag:s0] =	ssyncadd.s32 $0xFFFFD800  }
0xdc: {  	[hbm4b:s19+s3] =	stream.linear.scatter [tilespmem:s5], [sflag:$0x3], $0x2800, $0x38;
	[tilespmem:$0x1E200] =	vst v63  }
0xdd: {  	s16 =	sadd.s32 $0xA, s16;
	s19 =	sadd.s32 $0xA00, s19  }
0xde: {  	[hbm4b:s16+s3] =	stream.linear.scatter [tilespmem:s7], [sflag:$0x4], $0x50, $0x38;
	[tilespmem:$0x1E200] =	vst v63  }
0xdf: {  	_ =	swait.ge [sflag:s9], $0x2800  }
0xe0: {  	[sflag:s9] =	ssyncset.done $0x0  }
0xe1: {  	[sflag:s9] =	ssyncadd.s32 $0xFFFFD800  }
0xe2: {  	_ =	swait.ge [sflag:s10], $0x50  }
0xe3: {  	[sflag:s10] =	ssyncset.done $0x0  }
0xe4: {  	[sflag:s10] =	ssyncadd.s32 $0xFFFFFFB0  }
0xe5: {  	_ =	swait.ge [sflag:s9], $0x2800  }
.Ltmp4:
0xe6: {  	[sflag:s9] =	ssyncset.done $0x0;
	(pc) =	sbr.rel .LBB2_8-.Ltmp4, $4  }
0xe7: {  	[sflag:s9] =	ssyncadd.s32 $0xFFFFD800  }
0xe8: {  	_ =	swait.ge [sflag:s10], $0x50  }
0xe9: {  	[sflag:s10] =	ssyncset.done $0x0  }
0xea: {  	[sflag:s10] =	ssyncadd.s32 $0xFFFFFFB0  }
.LBB2_2:
0xeb: {  	s1 =	rddreg [dreg:$0x7]  }
0xec: {  	[spmem:s14], [sflag:s16] =	dma.local [hbm:s1], $0x2800  }
0xed: {  	_ =	swait.ge [sflag:s22], $0x2800  }
0xee: {  	[sflag:s22] =	ssyncset.done $0x0  }
0xef: {  	[sflag:s22] =	ssyncadd.s32 $0xFFFFD800  }
0xf0: {  	s16 =	simm.s32 $0x0;
	[bflag:$0x0] =	sbarrier.arrive $0xFFFF  }
0xf1: {  	[tilespmem:s25], [sflag:$0x1] =	stream.linear.gather [hbm4b:s8+s16], $0x50, $0x38;
	[tilespmem:$0x1E200] =	vst v63  }
0xf2: {  	_ =	swait.ge [sflag:s26], $0x50  }
0xf3: {  	[sflag:s26] =	ssyncset.done $0x0  }
0xf4: {  	s19 =	rddreg [dreg:$0xa];
	[sflag:s26] =	ssyncadd.s32 $0xFFFFFFB0  }
0xf5: {  	[tilespmem:s29], [sflag:$0x1] =	stream.linear.gather [hbm4b:s19+s16], $0x50, $0x38;
	[tilespmem:$0x1E200] =	vst v63  }
0xf6: {  	_ = 	snop  }
0xf7: {  	[tilespmem:s31], [sflag:$0x2] =	stream.indirect.gather [spmem:s2], $0x80, s25, s30, $0xb8;
	[tilespmem:$0x1E200] =	vst v63  }
0xf8: {  	_ =	swait.ge [sflag:s0], $0x2800  }
0xf9: {  	[sflag:s0] =	ssyncset.done $0x0  }
0xfa: {  	[sflag:s0] =	ssyncadd.s32 $0xFFFFD800  }
0xfb: {  	[hbm4b:s13+s16] =	stream.linear.scatter [tilespmem:s31], [sflag:$0x3], $0x2800, $0x38;
	[tilespmem:$0x1E200] =	vst v63  }
0xfc: {  	_ =	swait.ge [sflag:s26], $0x50  }
0xfd: {  	[sflag:s26] =	ssyncset.done $0x0  }
0xfe: {  	s6 =	rddreg [dreg:$0xb];
	[sflag:s26] =	ssyncadd.s32 $0xFFFFFFB0  }
0xff: {  	[tilespmem:s25], [sflag:$0x1] =	stream.linear.gather [hbm4b:s6+s16], $0x50, $0x38;
	[tilespmem:$0x1E200] =	vst v63  }
0x100: {  	_ = 	snop  }
0x101: {  	[tilespmem:s5], [sflag:$0x2] =	stream.indirect.gather [spmem:s2], $0x80, s29, s30, $0xb8;
	[tilespmem:$0x1E200] =	vst v63  }
0x102: {  	_ =	swait.ge [sflag:s0], $0x2800  }
0x103: {  	[sflag:s0] =	ssyncset.done $0x0  }
0x104: {  	s15 =	rddreg [dreg:$0xc];
	[sflag:s0] =	ssyncadd.s32 $0xFFFFD800  }
0x105: {  	[hbm4b:s15+s16] =	stream.linear.scatter [tilespmem:s5], [sflag:$0x3], $0x2800, $0x38;
	[tilespmem:$0x1E200] =	vst v63  }
0x106: {  	_ =	swait.ge [sflag:s26], $0x50  }
0x107: {  	[sflag:s26] =	ssyncset.done $0x0  }
0x108: {  	[sflag:s26] =	ssyncadd.s32 $0xFFFFFFB0  }
0x109: {  	[tilespmem:s29], [sflag:$0x1] =	stream.linear.gather [hbm4b:s18+s3], $0x50, $0x38;
	[tilespmem:$0x1E200] =	vst v63  }
0x10a: {  	_ =	swait.ge [sflag:s9], $0x2800  }
0x10b: {  	[sflag:s9] =	ssyncset.done $0x0  }
0x10c: {  	[sflag:s9] =	ssyncadd.s32 $0xFFFFD800  }
0x10d: {  	[tilespmem:s31], [sflag:$0x2] =	stream.indirect.gather [spmem:s2], $0x80, s25, s30, $0xb8;
	[tilespmem:$0x1E200] =	vst v63  }
0x10e: {  	_ =	swait.ge [sflag:s0], $0x2800  }
0x10f: {  	s16 =	sadd.s32 $0x0, s13;
	[sflag:s0] =	ssyncset.done $0x0  }
0x110: {  	s6 =	sadd.s32 $0xA00, s16;
	[sflag:s0] =	ssyncadd.s32 $0xFFFFD800  }
0x111: {  	[hbm4b:s6+s3] =	stream.linear.scatter [tilespmem:s31], [sflag:$0x3], $0x2800, $0x38;
	[tilespmem:$0x1E200] =	vst v63  }
0x112: {  	_ =	swait.ge [sflag:s26], $0x50  }
0x113: {  	[sflag:s26] =	ssyncset.done $0x0  }
0x114: {  	s19 =	sadd.s32 $0xA, s18;
	[sflag:s26] =	ssyncadd.s32 $0xFFFFFFB0  }
0x115: {  	[tilespmem:s25], [sflag:$0x1] =	stream.linear.gather [hbm4b:s19+s3], $0x50, $0x38;
	[tilespmem:$0x1E200] =	vst v63  }
0x116: {  	_ =	swait.ge [sflag:s9], $0x2800  }
0x117: {  	[sflag:s9] =	ssyncset.done $0x0  }
0x118: {  	[sflag:s9] =	ssyncadd.s32 $0xFFFFD800  }
0x119: {  	[tilespmem:s5], [sflag:$0x2] =	stream.indirect.gather [spmem:s2], $0x80, s29, s30, $0xb8;
	[tilespmem:$0x1E200] =	vst v63  }
0x11a: {  	_ =	swait.ge [sflag:s0], $0x2800  }
0x11b: {  	s14 =	simm.s32 $0xA00;
	[sflag:s0] =	ssyncset.done $0x0  }
0x11c: {  	s19 =	sadd.s32 $0xF00, s16;
	s16 =	sadd.s32 $0x14, s18;
	[sflag:s0] =	ssyncadd.s32 $0xFFFFD800  }
.LBB2_3:
0x11d: {  	[hbm4b:s19+s3] =	stream.linear.scatter [tilespmem:s5], [sflag:$0x3], $0x2800, $0x38;
	[tilespmem:$0x1E200] =	vst v63  }
0x11e: {  	s1 =	smov.u32 s14;
	s14 =	sadd.s32 $0xA00, s14;
	_ =	swait.ge [sflag:s26], $0x50  }
0x11f: {  	p1 =	sne.s32 s14, $0x4CE00;
	[sflag:s26] =	ssyncset.done $0x0  }
0x120: {  	[sflag:s26] =	ssyncadd.s32 $0xFFFFFFB0  }
0x121: {  	[tilespmem:s29], [sflag:$0x1] =	stream.linear.gather [hbm4b:s16+s3], $0x50, $0x38;
	[tilespmem:$0x1E200] =	vst v63  }
0x122: {  	_ =	swait.ge [sflag:s9], $0x2800  }
0x123: {  	[sflag:s9] =	ssyncset.done $0x0  }
0x124: {  	[sflag:s9] =	ssyncadd.s32 $0xFFFFD800  }
0x125: {  	[tilespmem:s31], [sflag:$0x2] =	stream.indirect.gather [spmem:s2], $0x80, s25, s30, $0xb8;
	[tilespmem:$0x1E200] =	vst v63  }
0x126: {  	_ =	swait.ge [sflag:s0], $0x2800  }
0x127: {  	s1 =	sadd.s32 s1, s13;
	[sflag:s0] =	ssyncset.done $0x0  }
0x128: {  	s6 =	sadd.s32 $0xA00, s1;
	[sflag:s0] =	ssyncadd.s32 $0xFFFFD800  }
0x129: {  	[hbm4b:s6+s3] =	stream.linear.scatter [tilespmem:s31], [sflag:$0x3], $0x2800, $0x38;
	[tilespmem:$0x1E200] =	vst v63  }
0x12a: {  	_ =	swait.ge [sflag:s26], $0x50  }
0x12b: {  	[sflag:s26] =	ssyncset.done $0x0  }
0x12c: {  	s6 =	sadd.s32 $0xA, s16;
	[sflag:s26] =	ssyncadd.s32 $0xFFFFFFB0  }
0x12d: {  	[tilespmem:s25], [sflag:$0x1] =	stream.linear.gather [hbm4b:s6+s3], $0x50, $0x38;
	[tilespmem:$0x1E200] =	vst v63  }
0x12e: {  	_ =	swait.ge [sflag:s9], $0x2800  }
0x12f: {  	[sflag:s9] =	ssyncset.done $0x0  }
.Ltmp5:
0x130: {  	[sflag:s9] =	ssyncadd.s32 $0xFFFFD800;
	(pc) =	sbr.rel @p1 .LBB2_3-.Ltmp5, $4  }
0x131: {  	[tilespmem:s5], [sflag:$0x2] =	stream.indirect.gather [spmem:s2], $0x80, s29, s30, $0xb8;
	[tilespmem:$0x1E200] =	vst v63  }
0x132: {  	_ =	swait.ge [sflag:s0], $0x2800  }
0x133: {  	[sflag:s0] =	ssyncset.done $0x0  }
0x134: {  	s19 =	sadd.s32 $0xF00, s1;
	s16 =	sadd.s32 $0x14, s16;
	[sflag:s0] =	ssyncadd.s32 $0xFFFFD800  }
.Ltmp6:
0x135: {  	_ = 	snop;
	(pc) =	sbr.rel .LBB2_4-.Ltmp6, $1  }
0x136: {  	_ =	sdelay $0x3  }
.LBB2_9:
0x137: {  	_ =	sfence.sel $0x180000  }
0x138: {  	[bflag:$0x0] =	sbarrier.arrive $0xFFFF  }
0x139: {  	_ =	strace $0x90000047  }
0x13a: {  	s0 =	stileid.u32;
	[bflag:$0x2] =	sbarrier.arrive $0xFFFF  }
0x13b: {  	p0 =	sne.s32 s0, $0x0;
	s0 =	rddreg [dreg:$0x3]  }
0x13c: {  	s0 =	sadd.s32 @!p0 $0x100000, s0  }
0x13d: {  	[sflag:s0] =	ssyncadd.tile.s32 @!p0 $0x1;
	_ =	shalt  }
.Lfunc_end2:
_tile_overlayer_lowered:
.L_overlay_start_2:
0x13e: {  	(tag) =	ssettag $0x2  }
0x13f: {  	s0 =	rddreg [dreg:$0x0];
	s2 =	stileid.u32  }
0x140: {  	s1 =	rddreg [dreg:$0x1];
	p0 =	sne.s32 s2, $0x0  }
0x141: {  	s3 =	rddreg [dreg:$0x2];
	[bflag:$0x3] =	sbarrier.arrive $0xFFFF;
	s2 =	simm.s32 @!p0 $0x1C05  }
0x142: {  	[timem:s3], [sflag:s2] =	dma.local @!p0 [hbm:s0], s1  }
0x143: {  	s0 =	simm.s32 @!p0 $0x5  }
0x144: {  	_ =	swait.ge @!p0 [sflag:s0], s1  }
0x145: {  	s1 =	ssub.s32 @!p0 $0x0, s1;
	[sflag:s0] =	ssyncset.done @!p0 $0x0  }
0x146: {  	[sflag:s0] =	ssyncadd.s32 @!p0 s1  }
0x147: {  	[bflag:$0x3] =	sbarrier.arrive $0xFFFF  }
0x148: {  	_ =	shalt  }

</sc_bundles>
